<compile_context>
chip_gen: v7x
topology: tpu7x:2x2x1
jax: 0.10.2.dev20260603
libtpu: 0.0.44.dev20260713+nightly
codegen_flags: <defaults>
</compile_context>

<pallas_src>
import functools

import jax
import jax.numpy as jnp
import numpy as np
from jax import lax
from jax.experimental import pallas as pl
from jax.experimental.pallas import tpu as pltpu
from jax.experimental.pallas import tpu_sc as plsc

_EPS = 1e-5
_NEG = -1e30

_SA_CFGS = [
    dict(npoint=2048, radius=0.2, nsample=64),
    dict(npoint=1024, radius=0.4, nsample=32),
    dict(npoint=512, radius=0.8, nsample=16),
    dict(npoint=256, radius=1.2, nsample=16),
]

_INTERPRET = False


def _bn_relu(x, m, sq, g, bt, fl):
    return jnp.maximum((x - m) / sq * g + bt, fl)


def _mlp_stage_body(x_ref, m_ref, sq_ref, g_ref, bt_ref, fl_ref,
                    w_ref, b_ref, out_ref, pool_ref=None, *, s_blk, K, pool):
    Cin = x_ref.shape[-1]
    Cout = w_ref.shape[0]
    x = x_ref[0].reshape(s_blk * K, Cin)
    t = _bn_relu(x, m_ref[0][None, :], sq_ref[0][None, :], g_ref[0][None, :],
                 bt_ref[0][None, :], fl_ref[0][None, :])
    z = lax.dot_general(t, w_ref[...], (((1,), (1,)), ((), ())),
                        preferred_element_type=jnp.float32)
    z = z + b_ref[0][None, :]
    z3 = z.reshape(s_blk, K, Cout)
    out_ref[0] = z3
    if pool:
        pool_ref[0] = jnp.max(z3, axis=1)


def _mlp_stage(x_raw, m, sq, g, bt, fl, W, b, *, pool, s_blk=128):
    B, S, K, Cin = x_raw.shape
    Cout = W.shape[0]
    grid = (B, S // s_blk)
    out_shape = [jax.ShapeDtypeStruct((B, S, K, Cout), jnp.float32)]
    out_specs = [pl.BlockSpec((1, s_blk, K, Cout), lambda bi, si: (bi, si, 0, 0))]
    if pool:
        out_shape.append(jax.ShapeDtypeStruct((B, S, Cout), jnp.float32))
        out_specs.append(pl.BlockSpec((1, s_blk, Cout), lambda bi, si: (bi, si, 0)))
    vec = lambda: pl.BlockSpec((1, Cin), lambda bi, si: (0, 0))
    res = pl.pallas_call(
        functools.partial(_mlp_stage_body, s_blk=s_blk, K=K, pool=pool),
        grid=grid,
        in_specs=[
            pl.BlockSpec((1, s_blk, K, Cin), lambda bi, si: (bi, si, 0, 0)),
            vec(), vec(), vec(), vec(), vec(),
            pl.BlockSpec((Cout, Cin), lambda bi, si: (0, 0)),
            pl.BlockSpec((1, Cout), lambda bi, si: (0, 0)),
        ],
        out_specs=out_specs,
        out_shape=out_shape,
        interpret=_INTERPRET,
    )(x_raw, m[None, :], sq[None, :], g[None, :], bt[None, :], fl[None, :],
      W, b[None, :])
    if pool:
        return res[0], res[1]
    return res[0], None


def _stats(z):
    mean = jnp.mean(z, axis=(0, 1, 2))
    var = jnp.var(z, axis=(0, 1, 2))
    return mean, jnp.sqrt(var + _EPS)


def _epilogue_body(x_ref, m_ref, sq_ref, g_ref, bt_ref, o_ref):
    o_ref[...] = jnp.maximum(
        (x_ref[...] - m_ref[0][None, None, :]) / sq_ref[0][None, None, :]
        * g_ref[0][None, None, :] + bt_ref[0][None, None, :], 0.0)


def _epilogue(pooled_raw, m, sq, g, bt):
    B, S, C = pooled_raw.shape
    return pl.pallas_call(
        _epilogue_body,
        out_shape=jax.ShapeDtypeStruct((B, S, C), jnp.float32),
        interpret=_INTERPRET,
    )(pooled_raw, m[None, :], sq[None, :], g[None, :], bt[None, :])


def _fps_body(x_ref, y_ref, z_ref, o_ref, *, npoint, N, B):
    NB = x_ref.shape[1]
    x = x_ref[...]
    y = y_ref[...]
    z = z_ref[...]
    sub = lax.broadcasted_iota(jnp.int32, (B, NB, 128), 1)
    lane = lax.broadcasted_iota(jnp.int32, (B, NB, 128), 2)
    flat = sub * 128 + lane
    out_lane = lax.broadcasted_iota(jnp.int32, (1, 128), 1)

    def body(i, carry):
        dist, f = carry
        msk = (flat == f)
        cx = jnp.sum(jnp.where(msk, x, 0.0), axis=(1, 2), keepdims=True)
        cy = jnp.sum(jnp.where(msk, y, 0.0), axis=(1, 2), keepdims=True)
        cz = jnp.sum(jnp.where(msk, z, 0.0), axis=(1, 2), keepdims=True)
        row = jnp.zeros((1, 128), jnp.float32)
        for b in range(B):
            row = jnp.where(out_lane == 3 * b + 0, cx[b, 0, 0], row)
            row = jnp.where(out_lane == 3 * b + 1, cy[b, 0, 0], row)
            row = jnp.where(out_lane == 3 * b + 2, cz[b, 0, 0], row)
        o_ref[pl.ds(i, 1), :] = row
        dx = x - cx
        dy = y - cy
        dz = z - cz
        d = (dx * dx + dy * dy) + dz * dz
        dist = jnp.minimum(dist, d)
        m = jnp.max(dist, axis=(1, 2), keepdims=True)
        f = jnp.min(jnp.where(dist == m, flat, N), axis=(1, 2), keepdims=True)
        return dist, f

    dist0 = jnp.full((B, NB, 128), 1e10, jnp.float32)
    f0 = jnp.zeros((B, 1, 1), jnp.int32)
    lax.fori_loop(0, npoint, body, (dist0, f0))


def _fps_pallas(xyz, npoint):
    B, N, _ = xyz.shape
    NB = N // 128
    coords = jnp.transpose(xyz, (0, 2, 1)).reshape(B, 3, NB, 128)
    out = pl.pallas_call(
        functools.partial(_fps_body, npoint=npoint, N=N, B=B),
        out_shape=jax.ShapeDtypeStruct((npoint, 128), jnp.float32),
        interpret=_INTERPRET,
    )(coords[:, 0], coords[:, 1], coords[:, 2])
    return jnp.transpose(out[:, :3 * B].reshape(npoint, B, 3), (1, 0, 2))


def _ballq_words_body(nx_ref, xyz_ref, o_ref, *, r2, s_blk, N):
    nx = nx_ref[0]
    xyzb = xyz_ref[0]
    ns = jnp.sum(nx * nx, axis=0, keepdims=True)
    nn = jnp.sum(xyzb * xyzb, axis=1, keepdims=True)
    dot = lax.dot_general(xyzb, nx, (((1,), (0,)), ((), ())),
                          preferred_element_type=jnp.float32)
    d = (ns + nn) - 2.0 * dot
    valid = jnp.where(d > r2, 0.0, 1.0)
    W = N // 16
    v3 = valid.reshape(W, 16, s_blk)
    pw = jnp.left_shift(1, lax.broadcasted_iota(jnp.int32, (1, 16, 1), 1))
    words = jnp.sum(v3 * pw.astype(jnp.float32), axis=1)
    o_ref[0] = words.astype(jnp.int32)


def _ballq_words(xyz, new_xyz, radius, *, s_blk=128):
    B, N, _ = xyz.shape
    S = new_xyz.shape[1]
    W = N // 16
    nxT = jnp.transpose(new_xyz, (0, 2, 1))
    out = pl.pallas_call(
        functools.partial(_ballq_words_body, r2=float(radius ** 2),
                          s_blk=s_blk, N=N),
        grid=(B, S // s_blk),
        in_specs=[
            pl.BlockSpec((1, 3, s_blk), lambda bi, si: (bi, 0, si)),
            pl.BlockSpec((1, N, 3), lambda bi, si: (bi, 0, 0)),
        ],
        out_specs=pl.BlockSpec((1, W, s_blk), lambda bi, si: (bi, 0, si)),
        out_shape=jax.ShapeDtypeStruct((B, W, S), jnp.int32),
        interpret=_INTERPRET,
    )(nxT, xyz)
    return jnp.transpose(out, (0, 2, 1))


def _sc_select(words, N, K):
    B, S, W = words.shape
    R = B * S
    info = plsc.get_sparse_core_info()
    NWK = info.num_cores * info.num_subcores
    rows_per = R // NWK
    mesh = plsc.VectorSubcoreMesh(core_axis_name="c", subcore_axis_name="s")

    @functools.partial(
        pl.kernel, mesh=mesh,
        compiler_params=pltpu.CompilerParams(needs_layout_passes=False),
        out_type=jax.ShapeDtypeStruct((R * K,), jnp.int32),
        scratch_types=[
            pltpu.VMEM((rows_per * W,), jnp.int32),
            pltpu.VMEM((W + 16,), jnp.int32),
            pltpu.VMEM((N + 16,), jnp.int32),
            pltpu.VMEM((K,), jnp.int32),
        ],
    )
    def k(words_hbm, out_hbm, wbuf, wlist, idxbuf, obuf):
        wid = lax.axis_index("s") * info.num_cores + lax.axis_index("c")
        base = wid * rows_per
        pltpu.sync_copy(words_hbm.at[pl.ds(base * W, rows_per * W)], wbuf)
        iota = jnp.arange(16, dtype=jnp.int32)

        def row_body(r, _):
            woff = r * W
            ones = jnp.ones((16,), jnp.int32)
            zeros = jnp.zeros((16,), jnp.int32)

            def bc(v):
                return jnp.full((16,), v, jnp.int32)

            def p1(g, nw):
                wv = wbuf[pl.ds(woff + g * 16, 16)]
                m = wv != zeros
                mi = m.astype(jnp.int32)
                pos = plsc.cumsum(mi) + bc(nw) - ones
                plsc.store_scatter(wlist, [pos], bc(g * 16) + iota, mask=m)
                return nw + jnp.sum(mi)

            nw = lax.fori_loop(0, W // 16, p1, jnp.int32(0), unroll=False)

            def p2(j, off):
                wsp = plsc.load_gather(wlist, [bc(j)])
                wval = plsc.load_gather(wbuf, [wsp + bc(woff)])
                m = (lax.shift_right_logical(wval, iota) & ones) != zeros
                mi = m.astype(jnp.int32)
                pos = plsc.cumsum(mi) + bc(off) - ones
                plsc.store_scatter(idxbuf, [pos], wsp * 16 + iota, mask=m)
                return off + jnp.sum(mi)

            lax.fori_loop(0, nw, p2, jnp.int32(0), unroll=False)
            first = plsc.load_gather(idxbuf, [zeros])
            has = (bc(nw) != zeros).astype(jnp.int32)
            first = first * has + jnp.full((16,), N, jnp.int32) * (ones - has)
            for q in range(K // 16):
                obuf[pl.ds(q * 16, 16)] = first
            kfull = jnp.full((16,), K, jnp.int32)

            def p3(j, off):
                wsp = plsc.load_gather(wlist, [bc(j)])
                wval = plsc.load_gather(wbuf, [wsp + bc(woff)])
                m = (lax.shift_right_logical(wval, iota) & ones) != zeros
                mi = m.astype(jnp.int32)
                pos = plsc.cumsum(mi) + bc(off) - ones
                inb = lax.shift_right_logical(pos - kfull, 31) != zeros
                plsc.store_scatter(obuf, [pos], wsp * 16 + iota,
                                   mask=jnp.logical_and(m, inb))
                return off + jnp.sum(mi)

            lax.fori_loop(0, nw, p3, jnp.int32(0), unroll=False)
            pltpu.sync_copy(obuf, out_hbm.at[pl.ds((base + r) * K, K)])
            return 0

        lax.fori_loop(0, rows_per, row_body, 0, unroll=False)

    return k(words.reshape(R * W)).reshape(B, S, K)


def _query_ball_sc(radius, K, xyz, new_xyz):
    words = _ballq_words(xyz, new_xyz, radius)
    return _sc_select(words, xyz.shape[1], K)


def _sq_dist(src, dst):
    return (jnp.sum(src ** 2, -1)[:, :, None]
            + jnp.sum(dst ** 2, -1)[:, None, :]
            - 2.0 * jnp.einsum('bsc,bnc->bsn', src, dst))


def _fps(xyz, npoint):
    B, N, _ = xyz.shape

    def body(i, state):
        centroids, distance, farthest = state
        centroids = centroids.at[:, i].set(farthest)
        centroid = jnp.take_along_axis(xyz, farthest[:, None, None], axis=1)
        dist = jnp.sum((xyz - centroid) ** 2, -1)
        distance = jnp.minimum(distance, dist)
        farthest = jnp.argmax(distance, -1).astype(jnp.int32)
        return centroids, distance, farthest

    centroids = jnp.zeros((B, npoint), dtype=jnp.int32)
    distance = jnp.full((B, N), 1e10, dtype=xyz.dtype)
    farthest = jnp.zeros((B,), dtype=jnp.int32)
    centroids, _, _ = lax.fori_loop(0, npoint, body,
                                    (centroids, distance, farthest))
    return centroids


def _query_ball(radius, nsample, xyz, new_xyz):
    B, N, _ = xyz.shape
    S = new_xyz.shape[1]
    sqrdists = _sq_dist(new_xyz, xyz)
    group_idx = jnp.broadcast_to(jnp.arange(N, dtype=jnp.int32), (B, S, N))
    group_idx = jnp.where(sqrdists > radius ** 2, N, group_idx)
    group_idx = jnp.sort(group_idx, axis=-1)[:, :, :nsample]
    group_first = jnp.broadcast_to(group_idx[:, :, :1], group_idx.shape)
    return jnp.where(group_idx == N, group_first, group_idx)


def _gather_rows(points, idx):
    B = points.shape[0]
    batch = jnp.arange(B).reshape((B,) + (1,) * (idx.ndim - 1))
    return points[batch, idx]


def _sa_layer(cfg, lps, xyz, feats_raw, fstat):
    B, N, _ = xyz.shape
    S, K = cfg['npoint'], cfg['nsample']
    new_xyz = _fps_pallas(xyz, S)
    idx = _query_ball(cfg['radius'], K, xyz, new_xyz)
    gx = _gather_rows(xyz, idx) - new_xyz[:, :, None, :]
    one3 = jnp.ones((3,), jnp.float32)
    zero3 = jnp.zeros((3,), jnp.float32)
    neg3 = jnp.full((3,), _NEG, jnp.float32)
    if feats_raw is None:
        X = gx
        m, sq, g, bt, fl = zero3, one3, one3, zero3, neg3
    else:
        gf = _gather_rows(feats_raw, idx)
        X = jnp.concatenate([gx, gf], axis=-1)
        fm, fsq, fg, fb = fstat
        m = jnp.concatenate([zero3, fm])
        sq = jnp.concatenate([one3, fsq])
        g = jnp.concatenate([one3, fg])
        bt = jnp.concatenate([zero3, fb])
        fl = jnp.concatenate([neg3, jnp.zeros_like(fm)])
    pooled = None
    for i, (W, b, gamma, beta) in enumerate(lps):
        pool = (i == len(lps) - 1)
        z, pooled = _mlp_stage(X, m, sq, g, bt, fl, W, b, pool=pool)
        zm, zsq = _stats(z)
        m, sq, g, bt = zm, zsq, gamma, beta
        fl = jnp.zeros_like(zm)
        X = z
    return new_xyz, pooled, (m, sq, g, bt)


def kernel(input, params):
    xyz = jnp.transpose(input, (0, 2, 1))
    feats, fstat = None, None
    for cfg, lps in zip(_SA_CFGS, params):
        xyz, feats, fstat = _sa_layer(cfg, lps, xyz, feats, fstat)
    f = _epilogue(feats, *fstat)
    return (jnp.transpose(xyz, (0, 2, 1)), jnp.transpose(f, (0, 2, 1)))

# --- scband reference (transcript-rebuilt; emitter-appended) ---
"""Pipeline reference for scband-point-cloud-encoder-23630910062860 (READ-ONLY COPY).

The authoritative reference and input builder live on the scoring server;
editing this copy changes nothing except your own understanding.
"""

import jax, jax.numpy as jnp
import numpy as np

SA_CONFIGS = [
    dict(npoint=2048, radius=0.2, nsample=64, in_channel=3,   mlp=[64, 64, 128]),
    dict(npoint=1024, radius=0.4, nsample=32, in_channel=131, mlp=[128, 128, 256]),
    dict(npoint=512,  radius=0.8, nsample=16, in_channel=259, mlp=[128, 128, 256]),
    dict(npoint=256,  radius=1.2, nsample=16, in_channel=259, mlp=[128, 128, 256]),
]

def square_distance(src, dst):
    return (jnp.sum(src ** 2, -1)[:, :, None]
            + jnp.sum(dst ** 2, -1)[:, None, :]
            - 2.0 * jnp.einsum('bsc,bnc->bsn', src, dst))

def index_points(points, idx):
    B = points.shape[0]
    batch = jnp.arange(B).reshape((B,) + (1,) * (idx.ndim - 1))
    return points[batch, idx]

def farthest_point_sample(xyz, npoint):
    B, N, _ = xyz.shape
    def body(i, state):
        centroids, distance, farthest = state
        centroids = centroids.at[:, i].set(farthest)
        centroid = jnp.take_along_axis(xyz, farthest[:, None, None], axis=1)
        dist = jnp.sum((xyz - centroid) ** 2, -1)
        distance = jnp.minimum(distance, dist)
        farthest = jnp.argmax(distance, -1).astype(jnp.int32)
        return centroids, distance, farthest
    centroids = jnp.zeros((B, npoint), dtype=jnp.int32)
    distance = jnp.full((B, N), 1e10, dtype=xyz.dtype)
    farthest = jnp.zeros((B,), dtype=jnp.int32)
    centroids, _, _ = jax.lax.fori_loop(0, npoint, body, (centroids, distance, farthest))
    return centroids

def query_ball_point(radius, nsample, xyz, new_xyz):
    B, N, _ = xyz.shape
    S = new_xyz.shape[1]
    sqrdists = square_distance(new_xyz, xyz)
    group_idx = jnp.broadcast_to(jnp.arange(N, dtype=jnp.int32), (B, S, N))
    group_idx = jnp.where(sqrdists > radius ** 2, N, group_idx)
    group_idx = jnp.sort(group_idx, axis=-1)[:, :, :nsample]
    group_first = jnp.broadcast_to(group_idx[:, :, :1], group_idx.shape)
    group_idx = jnp.where(group_idx == N, group_first, group_idx)
    return group_idx

def sample_and_group(npoint, radius, nsample, xyz, points):
    fps_idx = farthest_point_sample(jax.lax.stop_gradient(xyz), npoint)
    new_xyz = index_points(xyz, fps_idx)
    idx = query_ball_point(radius, nsample, jax.lax.stop_gradient(xyz), jax.lax.stop_gradient(new_xyz))
    grouped_xyz = index_points(xyz, idx)
    grouped_xyz_norm = grouped_xyz - new_xyz[:, :, None, :]
    if points is not None:
        grouped_points = index_points(points, idx)
        new_points = jnp.concatenate([grouped_xyz_norm, grouped_points], axis=-1)
    else:
        new_points = grouped_xyz_norm
    return new_xyz, new_points

def batchnorm2d(x, gamma, beta, eps=1e-5):
    mean = jnp.mean(x, axis=(0, 2, 3), keepdims=True)
    var = jnp.var(x, axis=(0, 2, 3), keepdims=True)
    xn = (x - mean) / jnp.sqrt(var + eps)
    return xn * gamma[None, :, None, None] + beta[None, :, None, None]

def set_abstraction(cfg, layer_params, xyz, points):
    xyz_t = jnp.transpose(xyz, (0, 2, 1))
    points_t = jnp.transpose(points, (0, 2, 1)) if points is not None else None
    new_xyz, new_points = sample_and_group(cfg['npoint'], cfg['radius'], cfg['nsample'], xyz_t, points_t)
    x = jnp.transpose(new_points, (0, 3, 2, 1))
    for (W, b, gamma, beta) in layer_params:
        x = jnp.einsum('oc,bcnk->bonk', W, x) + b[None, :, None, None]
        x = batchnorm2d(x, gamma, beta)
        x = jax.nn.relu(x)
    x = jnp.max(x, axis=2)
    return jnp.transpose(new_xyz, (0, 2, 1)), x

def _make_params(key):
    params = []
    for cfg in SA_CONFIGS:
        last = cfg['in_channel']
        lps = []
        for out in cfg['mlp']:
            key, k1 = jax.random.split(key)
            W = jax.random.normal(k1, (out, last), dtype=jnp.float32) * (1.0 / np.sqrt(last))
            b = jnp.zeros((out,), jnp.float32)
            gamma = jnp.ones((out,), jnp.float32)
            beta = jnp.zeros((out,), jnp.float32)
            lps.append((W, b, gamma, beta))
            last = out
        params.append(lps)
    return params

def setup_inputs(seed: int = 0):
    key = jax.random.key(seed)
    k1, k2 = jax.random.split(key)
    inp = jax.random.normal(k1, (2, 3, 8192), dtype=jnp.float32)
    params = _make_params(k2)
    return {"input": inp, "params": params}

def reference(input, params):
    xyz, f = set_abstraction(SA_CONFIGS[0], params[0], input, None)
    xyz, f = set_abstraction(SA_CONFIGS[1], params[1], xyz, f)
    xyz, f = set_abstraction(SA_CONFIGS[2], params[2], xyz, f)
    xyz, f = set_abstraction(SA_CONFIGS[3], params[3], xyz, f)
    return (xyz, f)

if __name__ == "__main__":
    import jax
    _d = setup_inputs()
    print(jax.jit(kernel)(*tuple(_d.values())))

</pallas_src>

<mosaic_0001>
module attributes {stable_mosaic.version = 14 : i64} {
  func.func @_fps_body(%arg0: memref<2x64x128xf32, #tpu.memory_space<vmem>>, %arg1: memref<2x64x128xf32, #tpu.memory_space<vmem>>, %arg2: memref<2x64x128xf32, #tpu.memory_space<vmem>>, %arg3: memref<2048x128xf32, #tpu.memory_space<vmem>>) attributes {dimension_semantics = [], scalar_prefetch = 0 : i64, scratch_operands = 0 : i64, tpu.core_type = #tpu.core_type<tc>} {
    %get3A = arith.constant 0 : index
    %get3A_0 = arith.constant 0 : index
    %get3A_1 = arith.constant 0 : index
    %get3A_2 = vector.load %arg0[%get3A, %get3A_0, %get3A_1] : memref<2x64x128xf32, #tpu.memory_space<vmem>>, vector<2x64x128xf32>
    %get3A_3 = arith.constant 0 : index
    %get3A_4 = arith.constant 0 : index
    %get3A_5 = arith.constant 0 : index
    %get3A_6 = vector.load %arg1[%get3A_3, %get3A_4, %get3A_5] : memref<2x64x128xf32, #tpu.memory_space<vmem>>, vector<2x64x128xf32>
    %get3A_7 = arith.constant 0 : index
    %get3A_8 = arith.constant 0 : index
    %get3A_9 = arith.constant 0 : index
    %get3A_10 = vector.load %arg2[%get3A_7, %get3A_8, %get3A_9] : memref<2x64x128xf32, #tpu.memory_space<vmem>>, vector<2x64x128xf32>
    %iota3A = tpu.iota {dimensions = array<i32: 1>} : vector<2x64x128xi32>
    %iota3A_11 = tpu.iota {dimensions = array<i32: 2>} : vector<2x64x128xi32>
    %mul3A = arith.constant 128 : i32
    %mul3A_12 = vector.broadcast %mul3A : i32 to vector<2x64x128xi32>
    %mul3A_13 = arith.muli %iota3A, %mul3A_12 : vector<2x64x128xi32>
    %add3A = arith.addi %mul3A_13, %iota3A_11 : vector<2x64x128xi32>
    %iota3A_14 = tpu.iota {dimensions = array<i32: 1>} : vector<1x128xi32>
    %broadcast_in_dim3A = arith.constant 1.000000e+10 : f32
    %broadcast_in_dim3A_15 = vector.broadcast %broadcast_in_dim3A : f32 to vector<2x64x128xf32>
    %broadcast_in_dim3A_16 = arith.constant 0 : i32
    %broadcast_in_dim3A_17 = vector.broadcast %broadcast_in_dim3A_16 : i32 to vector<2x1x1xi32>
    %scan3A = arith.constant 0 : i32
    %scan3A_18 = arith.constant 2048 : i32
    %scan3A_19 = arith.addi %scan3A, %scan3A_18 : i32
    %scan3A_20 = arith.constant 1 : i32
    %scan3A_21:2 = scf.for %scan3A_23 = %scan3A to %scan3A_19 step %scan3A_20 iter_args(%scan3A_24 = %broadcast_in_dim3A_15, %scan3A_25 = %broadcast_in_dim3A_17) -> (vector<2x64x128xf32>, vector<2x1x1xi32>)  : i32 {
      %eq3A = vector.broadcast %scan3A_25 : vector<2x1x1xi32> to vector<2x64x128xi32>
      %eq3A_26 = arith.cmpi eq, %add3A, %eq3A : vector<2x64x128xi32>
      %jit3A = arith.constant 0.000000e+00 : f32
      %broadcast_in_dim3A_27 = vector.broadcast %jit3A : f32 to vector<2x64x128xf32>
      %select_n3A = arith.select %eq3A_26, %get3A_2, %broadcast_in_dim3A_27 : vector<2x64x128xi1>, vector<2x64x128xf32>
      %reduce_sum3A = arith.constant dense<0.000000e+00> : vector<2xf32>
      %reduce_sum3A_28 = vector.multi_reduction <add>, %select_n3A, %reduce_sum3A [1, 2] : vector<2x64x128xf32> to vector<2xf32>
      %broadcast_in_dim3A_29 = vector.shape_cast %reduce_sum3A_28 : vector<2xf32> to vector<2x1x1xf32>
      %jit3A_30 = arith.constant 0.000000e+00 : f32
      %broadcast_in_dim3A_31 = vector.broadcast %jit3A_30 : f32 to vector<2x64x128xf32>
      %select_n3A_32 = arith.select %eq3A_26, %get3A_6, %broadcast_in_dim3A_31 : vector<2x64x128xi1>, vector<2x64x128xf32>
      %reduce_sum3A_33 = arith.constant dense<0.000000e+00> : vector<2xf32>
      %reduce_sum3A_34 = vector.multi_reduction <add>, %select_n3A_32, %reduce_sum3A_33 [1, 2] : vector<2x64x128xf32> to vector<2xf32>
      %broadcast_in_dim3A_35 = vector.shape_cast %reduce_sum3A_34 : vector<2xf32> to vector<2x1x1xf32>
      %jit3A_36 = arith.constant 0.000000e+00 : f32
      %broadcast_in_dim3A_37 = vector.broadcast %jit3A_36 : f32 to vector<2x64x128xf32>
      %select_n3A_38 = arith.select %eq3A_26, %get3A_10, %broadcast_in_dim3A_37 : vector<2x64x128xi1>, vector<2x64x128xf32>
      %reduce_sum3A_39 = arith.constant dense<0.000000e+00> : vector<2xf32>
      %reduce_sum3A_40 = vector.multi_reduction <add>, %select_n3A_38, %reduce_sum3A_39 [1, 2] : vector<2x64x128xf32> to vector<2xf32>
      %broadcast_in_dim3A_41 = vector.shape_cast %reduce_sum3A_40 : vector<2xf32> to vector<2x1x1xf32>
      %broadcast_in_dim3A_42 = arith.constant 0.000000e+00 : f32
      %broadcast_in_dim3A_43 = vector.broadcast %broadcast_in_dim3A_42 : f32 to vector<1x128xf32>
      %eq3A_44 = arith.constant 0 : i32
      %eq3A_45 = vector.broadcast %eq3A_44 : i32 to vector<1x128xi32>
      %eq3A_46 = arith.cmpi eq, %iota3A_14, %eq3A_45 : vector<1x128xi32>
      %slice3A = vector.extract_strided_slice %broadcast_in_dim3A_29 {offsets = [0, 0, 0], sizes = [1, 1, 1], strides = [1, 1, 1]} : vector<2x1x1xf32> to vector<1x1x1xf32>
      %squeeze3A = vector.extract %slice3A[0, 0, 0] : f32 from vector<1x1x1xf32>
      %broadcast_in_dim3A_47 = vector.broadcast %squeeze3A : f32 to vector<1x128xf32>
      %select_n3A_48 = arith.select %eq3A_46, %broadcast_in_dim3A_47, %broadcast_in_dim3A_43 : vector<1x128xi1>, vector<1x128xf32>
      %eq3A_49 = arith.constant 1 : i32
      %eq3A_50 = vector.broadcast %eq3A_49 : i32 to vector<1x128xi32>
      %eq3A_51 = arith.cmpi eq, %iota3A_14, %eq3A_50 : vector<1x128xi32>
      %slice3A_52 = vector.extract_strided_slice %broadcast_in_dim3A_35 {offsets = [0, 0, 0], sizes = [1, 1, 1], strides = [1, 1, 1]} : vector<2x1x1xf32> to vector<1x1x1xf32>
      %squeeze3A_53 = vector.extract %slice3A_52[0, 0, 0] : f32 from vector<1x1x1xf32>
      %broadcast_in_dim3A_54 = vector.broadcast %squeeze3A_53 : f32 to vector<1x128xf32>
      %select_n3A_55 = arith.select %eq3A_51, %broadcast_in_dim3A_54, %select_n3A_48 : vector<1x128xi1>, vector<1x128xf32>
      %eq3A_56 = arith.constant 2 : i32
      %eq3A_57 = vector.broadcast %eq3A_56 : i32 to vector<1x128xi32>
      %eq3A_58 = arith.cmpi eq, %iota3A_14, %eq3A_57 : vector<1x128xi32>
      %slice3A_59 = vector.extract_strided_slice %broadcast_in_dim3A_41 {offsets = [0, 0, 0], sizes = [1, 1, 1], strides = [1, 1, 1]} : vector<2x1x1xf32> to vector<1x1x1xf32>
      %squeeze3A_60 = vector.extract %slice3A_59[0, 0, 0] : f32 from vector<1x1x1xf32>
      %broadcast_in_dim3A_61 = vector.broadcast %squeeze3A_60 : f32 to vector<1x128xf32>
      %select_n3A_62 = arith.select %eq3A_58, %broadcast_in_dim3A_61, %select_n3A_55 : vector<1x128xi1>, vector<1x128xf32>
      %eq3A_63 = arith.constant 3 : i32
      %eq3A_64 = vector.broadcast %eq3A_63 : i32 to vector<1x128xi32>
      %eq3A_65 = arith.cmpi eq, %iota3A_14, %eq3A_64 : vector<1x128xi32>
      %slice3A_66 = vector.extract_strided_slice %broadcast_in_dim3A_29 {offsets = [1, 0, 0], sizes = [1, 1, 1], strides = [1, 1, 1]} : vector<2x1x1xf32> to vector<1x1x1xf32>
      %squeeze3A_67 = vector.extract %slice3A_66[0, 0, 0] : f32 from vector<1x1x1xf32>
      %broadcast_in_dim3A_68 = vector.broadcast %squeeze3A_67 : f32 to vector<1x128xf32>
      %select_n3A_69 = arith.select %eq3A_65, %broadcast_in_dim3A_68, %select_n3A_62 : vector<1x128xi1>, vector<1x128xf32>
      %eq3A_70 = arith.constant 4 : i32
      %eq3A_71 = vector.broadcast %eq3A_70 : i32 to vector<1x128xi32>
      %eq3A_72 = arith.cmpi eq, %iota3A_14, %eq3A_71 : vector<1x128xi32>
      %slice3A_73 = vector.extract_strided_slice %broadcast_in_dim3A_35 {offsets = [1, 0, 0], sizes = [1, 1, 1], strides = [1, 1, 1]} : vector<2x1x1xf32> to vector<1x1x1xf32>
      %squeeze3A_74 = vector.extract %slice3A_73[0, 0, 0] : f32 from vector<1x1x1xf32>
      %broadcast_in_dim3A_75 = vector.broadcast %squeeze3A_74 : f32 to vector<1x128xf32>
      %select_n3A_76 = arith.select %eq3A_72, %broadcast_in_dim3A_75, %select_n3A_69 : vector<1x128xi1>, vector<1x128xf32>
      %eq3A_77 = arith.constant 5 : i32
      %eq3A_78 = vector.broadcast %eq3A_77 : i32 to vector<1x128xi32>
      %eq3A_79 = arith.cmpi eq, %iota3A_14, %eq3A_78 : vector<1x128xi32>
      %slice3A_80 = vector.extract_strided_slice %broadcast_in_dim3A_41 {offsets = [1, 0, 0], sizes = [1, 1, 1], strides = [1, 1, 1]} : vector<2x1x1xf32> to vector<1x1x1xf32>
      %squeeze3A_81 = vector.extract %slice3A_80[0, 0, 0] : f32 from vector<1x1x1xf32>
      %broadcast_in_dim3A_82 = vector.broadcast %squeeze3A_81 : f32 to vector<1x128xf32>
      %select_n3A_83 = arith.select %eq3A_79, %broadcast_in_dim3A_82, %select_n3A_76 : vector<1x128xi1>, vector<1x128xf32>
      %swap3A = arith.index_cast %scan3A_23 : i32 to index
      %swap3A_84 = arith.constant 0 : index
      %swap3A_85 = vector.load %arg3[%swap3A, %swap3A_84] : memref<2048x128xf32, #tpu.memory_space<vmem>>, vector<1x128xf32>
      tpu.vector_store %arg3[%swap3A, %swap3A_84], %select_n3A_83 {strides = array<i32>} : memref<2048x128xf32, #tpu.memory_space<vmem>>, vector<1x128xf32>,
      %sub3A = vector.broadcast %broadcast_in_dim3A_29 : vector<2x1x1xf32> to vector<2x64x128xf32>
      %sub3A_86 = arith.subf %get3A_2, %sub3A : vector<2x64x128xf32>
      %sub3A_87 = vector.broadcast %broadcast_in_dim3A_35 : vector<2x1x1xf32> to vector<2x64x128xf32>
      %sub3A_88 = arith.subf %get3A_6, %sub3A_87 : vector<2x64x128xf32>
      %sub3A_89 = vector.broadcast %broadcast_in_dim3A_41 : vector<2x1x1xf32> to vector<2x64x128xf32>
      %sub3A_90 = arith.subf %get3A_10, %sub3A_89 : vector<2x64x128xf32>
      %mul3A_91 = arith.mulf %sub3A_86, %sub3A_86 : vector<2x64x128xf32>
      %mul3A_92 = arith.mulf %sub3A_88, %sub3A_88 : vector<2x64x128xf32>
      %add3A_93 = arith.addf %mul3A_91, %mul3A_92 : vector<2x64x128xf32>
      %mul3A_94 = arith.mulf %sub3A_90, %sub3A_90 : vector<2x64x128xf32>
      %add3A_95 = arith.addf %add3A_93, %mul3A_94 : vector<2x64x128xf32>
      %min3A = arith.minimumf %scan3A_24, %add3A_95 : vector<2x64x128xf32>
      %reduce_max3A = arith.constant dense<0xFF800000> : vector<2xf32>
      %reduce_max3A_96 = vector.multi_reduction <maximumf>, %min3A, %reduce_max3A [1, 2] : vector<2x64x128xf32> to vector<2xf32>
      %broadcast_in_dim3A_97 = vector.shape_cast %reduce_max3A_96 : vector<2xf32> to vector<2x1x1xf32>
      %eq3A_98 = vector.broadcast %broadcast_in_dim3A_97 : vector<2x1x1xf32> to vector<2x64x128xf32>
      %eq3A_99 = arith.cmpf oeq, %min3A, %eq3A_98 : vector<2x64x128xf32>
      %jit3A_100 = arith.constant 8192 : i32
      %broadcast_in_dim3A_101 = vector.broadcast %jit3A_100 : i32 to vector<2x64x128xi32>
      %select_n3A_102 = arith.select %eq3A_99, %add3A, %broadcast_in_dim3A_101 : vector<2x64x128xi1>, vector<2x64x128xi32>
      %reduce_min3A = arith.constant dense<2147483647> : vector<2xi32>
      %reduce_min3A_103 = vector.multi_reduction <minsi>, %select_n3A_102, %reduce_min3A [1, 2] : vector<2x64x128xi32> to vector<2xi32>
      %broadcast_in_dim3A_104 = vector.shape_cast %reduce_min3A_103 : vector<2xi32> to vector<2x1x1xi32>
      scf.yield %min3A, %broadcast_in_dim3A_104 : vector<2x64x128xf32>, vector<2x1x1xi32>
    }
    %scan3A_22 = arith.constant 2048 : i32
    return
  }
}

module attributes {stable_mosaic.version = 14 : i64} {
  func.func @_fps_body(%arg0: memref<2x16x128xf32, #tpu.memory_space<vmem>>, %arg1: memref<2x16x128xf32, #tpu.memory_space<vmem>>, %arg2: memref<2x16x128xf32, #tpu.memory_space<vmem>>, %arg3: memref<1024x128xf32, #tpu.memory_space<vmem>>) attributes {dimension_semantics = [], scalar_prefetch = 0 : i64, scratch_operands = 0 : i64, tpu.core_type = #tpu.core_type<tc>} {
    %get3A = arith.constant 0 : index
    %get3A_0 = arith.constant 0 : index
    %get3A_1 = arith.constant 0 : index
    %get3A_2 = vector.load %arg0[%get3A, %get3A_0, %get3A_1] : memref<2x16x128xf32, #tpu.memory_space<vmem>>, vector<2x16x128xf32>
    %get3A_3 = arith.constant 0 : index
    %get3A_4 = arith.constant 0 : index
    %get3A_5 = arith.constant 0 : index
    %get3A_6 = vector.load %arg1[%get3A_3, %get3A_4, %get3A_5] : memref<2x16x128xf32, #tpu.memory_space<vmem>>, vector<2x16x128xf32>
    %get3A_7 = arith.constant 0 : index
    %get3A_8 = arith.constant 0 : index
    %get3A_9 = arith.constant 0 : index
    %get3A_10 = vector.load %arg2[%get3A_7, %get3A_8, %get3A_9] : memref<2x16x128xf32, #tpu.memory_space<vmem>>, vector<2x16x128xf32>
    %iota3A = tpu.iota {dimensions = array<i32: 1>} : vector<2x16x128xi32>
    %iota3A_11 = tpu.iota {dimensions = array<i32: 2>} : vector<2x16x128xi32>
    %mul3A = arith.constant 128 : i32
    %mul3A_12 = vector.broadcast %mul3A : i32 to vector<2x16x128xi32>
    %mul3A_13 = arith.muli %iota3A, %mul3A_12 : vector<2x16x128xi32>
    %add3A = arith.addi %mul3A_13, %iota3A_11 : vector<2x16x128xi32>
    %iota3A_14 = tpu.iota {dimensions = array<i32: 1>} : vector<1x128xi32>
    %broadcast_in_dim3A = arith.constant 1.000000e+10 : f32
    %broadcast_in_dim3A_15 = vector.broadcast %broadcast_in_dim3A : f32 to vector<2x16x128xf32>
    %broadcast_in_dim3A_16 = arith.constant 0 : i32
    %broadcast_in_dim3A_17 = vector.broadcast %broadcast_in_dim3A_16 : i32 to vector<2x1x1xi32>
    %scan3A = arith.constant 0 : i32
    %scan3A_18 = arith.constant 1024 : i32
    %scan3A_19 = arith.addi %scan3A, %scan3A_18 : i32
    %scan3A_20 = arith.constant 1 : i32
    %scan3A_21:2 = scf.for %scan3A_23 = %scan3A to %scan3A_19 step %scan3A_20 iter_args(%scan3A_24 = %broadcast_in_dim3A_15, %scan3A_25 = %broadcast_in_dim3A_17) -> (vector<2x16x128xf32>, vector<2x1x1xi32>)  : i32 {
      %eq3A = vector.broadcast %scan3A_25 : vector<2x1x1xi32> to vector<2x16x128xi32>
      %eq3A_26 = arith.cmpi eq, %add3A, %eq3A : vector<2x16x128xi32>
      %jit3A = arith.constant 0.000000e+00 : f32
      %broadcast_in_dim3A_27 = vector.broadcast %jit3A : f32 to vector<2x16x128xf32>
      %select_n3A = arith.select %eq3A_26, %get3A_2, %broadcast_in_dim3A_27 : vector<2x16x128xi1>, vector<2x16x128xf32>
      %reduce_sum3A = arith.constant dense<0.000000e+00> : vector<2xf32>
      %reduce_sum3A_28 = vector.multi_reduction <add>, %select_n3A, %reduce_sum3A [1, 2] : vector<2x16x128xf32> to vector<2xf32>
      %broadcast_in_dim3A_29 = vector.shape_cast %reduce_sum3A_28 : vector<2xf32> to vector<2x1x1xf32>
      %jit3A_30 = arith.constant 0.000000e+00 : f32
      %broadcast_in_dim3A_31 = vector.broadcast %jit3A_30 : f32 to vector<2x16x128xf32>
      %select_n3A_32 = arith.select %eq3A_26, %get3A_6, %broadcast_in_dim3A_31 : vector<2x16x128xi1>, vector<2x16x128xf32>
      %reduce_sum3A_33 = arith.constant dense<0.000000e+00> : vector<2xf32>
      %reduce_sum3A_34 = vector.multi_reduction <add>, %select_n3A_32, %reduce_sum3A_33 [1, 2] : vector<2x16x128xf32> to vector<2xf32>
      %broadcast_in_dim3A_35 = vector.shape_cast %reduce_sum3A_34 : vector<2xf32> to vector<2x1x1xf32>
      %jit3A_36 = arith.constant 0.000000e+00 : f32
      %broadcast_in_dim3A_37 = vector.broadcast %jit3A_36 : f32 to vector<2x16x128xf32>
      %select_n3A_38 = arith.select %eq3A_26, %get3A_10, %broadcast_in_dim3A_37 : vector<2x16x128xi1>, vector<2x16x128xf32>
      %reduce_sum3A_39 = arith.constant dense<0.000000e+00> : vector<2xf32>
      %reduce_sum3A_40 = vector.multi_reduction <add>, %select_n3A_38, %reduce_sum3A_39 [1, 2] : vector<2x16x128xf32> to vector<2xf32>
      %broadcast_in_dim3A_41 = vector.shape_cast %reduce_sum3A_40 : vector<2xf32> to vector<2x1x1xf32>
      %broadcast_in_dim3A_42 = arith.constant 0.000000e+00 : f32
      %broadcast_in_dim3A_43 = vector.broadcast %broadcast_in_dim3A_42 : f32 to vector<1x128xf32>
      %eq3A_44 = arith.constant 0 : i32
      %eq3A_45 = vector.broadcast %eq3A_44 : i32 to vector<1x128xi32>
      %eq3A_46 = arith.cmpi eq, %iota3A_14, %eq3A_45 : vector<1x128xi32>
      %slice3A = vector.extract_strided_slice %broadcast_in_dim3A_29 {offsets = [0, 0, 0], sizes = [1, 1, 1], strides = [1, 1, 1]} : vector<2x1x1xf32> to vector<1x1x1xf32>
      %squeeze3A = vector.extract %slice3A[0, 0, 0] : f32 from vector<1x1x1xf32>
      %broadcast_in_dim3A_47 = vector.broadcast %squeeze3A : f32 to vector<1x128xf32>
      %select_n3A_48 = arith.select %eq3A_46, %broadcast_in_dim3A_47, %broadcast_in_dim3A_43 : vector<1x128xi1>, vector<1x128xf32>
      %eq3A_49 = arith.constant 1 : i32
      %eq3A_50 = vector.broadcast %eq3A_49 : i32 to vector<1x128xi32>
      %eq3A_51 = arith.cmpi eq, %iota3A_14, %eq3A_50 : vector<1x128xi32>
      %slice3A_52 = vector.extract_strided_slice %broadcast_in_dim3A_35 {offsets = [0, 0, 0], sizes = [1, 1, 1], strides = [1, 1, 1]} : vector<2x1x1xf32> to vector<1x1x1xf32>
      %squeeze3A_53 = vector.extract %slice3A_52[0, 0, 0] : f32 from vector<1x1x1xf32>
      %broadcast_in_dim3A_54 = vector.broadcast %squeeze3A_53 : f32 to vector<1x128xf32>
      %select_n3A_55 = arith.select %eq3A_51, %broadcast_in_dim3A_54, %select_n3A_48 : vector<1x128xi1>, vector<1x128xf32>
      %eq3A_56 = arith.constant 2 : i32
      %eq3A_57 = vector.broadcast %eq3A_56 : i32 to vector<1x128xi32>
      %eq3A_58 = arith.cmpi eq, %iota3A_14, %eq3A_57 : vector<1x128xi32>
      %slice3A_59 = vector.extract_strided_slice %broadcast_in_dim3A_41 {offsets = [0, 0, 0], sizes = [1, 1, 1], strides = [1, 1, 1]} : vector<2x1x1xf32> to vector<1x1x1xf32>
      %squeeze3A_60 = vector.extract %slice3A_59[0, 0, 0] : f32 from vector<1x1x1xf32>
      %broadcast_in_dim3A_61 = vector.broadcast %squeeze3A_60 : f32 to vector<1x128xf32>
      %select_n3A_62 = arith.select %eq3A_58, %broadcast_in_dim3A_61, %select_n3A_55 : vector<1x128xi1>, vector<1x128xf32>
      %eq3A_63 = arith.constant 3 : i32
      %eq3A_64 = vector.broadcast %eq3A_63 : i32 to vector<1x128xi32>
      %eq3A_65 = arith.cmpi eq, %iota3A_14, %eq3A_64 : vector<1x128xi32>
      %slice3A_66 = vector.extract_strided_slice %broadcast_in_dim3A_29 {offsets = [1, 0, 0], sizes = [1, 1, 1], strides = [1, 1, 1]} : vector<2x1x1xf32> to vector<1x1x1xf32>
      %squeeze3A_67 = vector.extract %slice3A_66[0, 0, 0] : f32 from vector<1x1x1xf32>
      %broadcast_in_dim3A_68 = vector.broadcast %squeeze3A_67 : f32 to vector<1x128xf32>
      %select_n3A_69 = arith.select %eq3A_65, %broadcast_in_dim3A_68, %select_n3A_62 : vector<1x128xi1>, vector<1x128xf32>
      %eq3A_70 = arith.constant 4 : i32
      %eq3A_71 = vector.broadcast %eq3A_70 : i32 to vector<1x128xi32>
      %eq3A_72 = arith.cmpi eq, %iota3A_14, %eq3A_71 : vector<1x128xi32>
      %slice3A_73 = vector.extract_strided_slice %broadcast_in_dim3A_35 {offsets = [1, 0, 0], sizes = [1, 1, 1], strides = [1, 1, 1]} : vector<2x1x1xf32> to vector<1x1x1xf32>
      %squeeze3A_74 = vector.extract %slice3A_73[0, 0, 0] : f32 from vector<1x1x1xf32>
      %broadcast_in_dim3A_75 = vector.broadcast %squeeze3A_74 : f32 to vector<1x128xf32>
      %select_n3A_76 = arith.select %eq3A_72, %broadcast_in_dim3A_75, %select_n3A_69 : vector<1x128xi1>, vector<1x128xf32>
      %eq3A_77 = arith.constant 5 : i32
      %eq3A_78 = vector.broadcast %eq3A_77 : i32 to vector<1x128xi32>
      %eq3A_79 = arith.cmpi eq, %iota3A_14, %eq3A_78 : vector<1x128xi32>
      %slice3A_80 = vector.extract_strided_slice %broadcast_in_dim3A_41 {offsets = [1, 0, 0], sizes = [1, 1, 1], strides = [1, 1, 1]} : vector<2x1x1xf32> to vector<1x1x1xf32>
      %squeeze3A_81 = vector.extract %slice3A_80[0, 0, 0] : f32 from vector<1x1x1xf32>
      %broadcast_in_dim3A_82 = vector.broadcast %squeeze3A_81 : f32 to vector<1x128xf32>
      %select_n3A_83 = arith.select %eq3A_79, %broadcast_in_dim3A_82, %select_n3A_76 : vector<1x128xi1>, vector<1x128xf32>
      %swap3A = arith.index_cast %scan3A_23 : i32 to index
      %swap3A_84 = arith.constant 0 : index
      %swap3A_85 = vector.load %arg3[%swap3A, %swap3A_84] : memref<1024x128xf32, #tpu.memory_space<vmem>>, vector<1x128xf32>
      tpu.vector_store %arg3[%swap3A, %swap3A_84], %select_n3A_83 {strides = array<i32>} : memref<1024x128xf32, #tpu.memory_space<vmem>>, vector<1x128xf32>,
      %sub3A = vector.broadcast %broadcast_in_dim3A_29 : vector<2x1x1xf32> to vector<2x16x128xf32>
      %sub3A_86 = arith.subf %get3A_2, %sub3A : vector<2x16x128xf32>
      %sub3A_87 = vector.broadcast %broadcast_in_dim3A_35 : vector<2x1x1xf32> to vector<2x16x128xf32>
      %sub3A_88 = arith.subf %get3A_6, %sub3A_87 : vector<2x16x128xf32>
      %sub3A_89 = vector.broadcast %broadcast_in_dim3A_41 : vector<2x1x1xf32> to vector<2x16x128xf32>
      %sub3A_90 = arith.subf %get3A_10, %sub3A_89 : vector<2x16x128xf32>
      %mul3A_91 = arith.mulf %sub3A_86, %sub3A_86 : vector<2x16x128xf32>
      %mul3A_92 = arith.mulf %sub3A_88, %sub3A_88 : vector<2x16x128xf32>
      %add3A_93 = arith.addf %mul3A_91, %mul3A_92 : vector<2x16x128xf32>
      %mul3A_94 = arith.mulf %sub3A_90, %sub3A_90 : vector<2x16x128xf32>
      %add3A_95 = arith.addf %add3A_93, %mul3A_94 : vector<2x16x128xf32>
      %min3A = arith.minimumf %scan3A_24, %add3A_95 : vector<2x16x128xf32>
      %reduce_max3A = arith.constant dense<0xFF800000> : vector<2xf32>
      %reduce_max3A_96 = vector.multi_reduction <maximumf>, %min3A, %reduce_max3A [1, 2] : vector<2x16x128xf32> to vector<2xf32>
      %broadcast_in_dim3A_97 = vector.shape_cast %reduce_max3A_96 : vector<2xf32> to vector<2x1x1xf32>
      %eq3A_98 = vector.broadcast %broadcast_in_dim3A_97 : vector<2x1x1xf32> to vector<2x16x128xf32>
      %eq3A_99 = arith.cmpf oeq, %min3A, %eq3A_98 : vector<2x16x128xf32>
      %jit3A_100 = arith.constant 2048 : i32
      %broadcast_in_dim3A_101 = vector.broadcast %jit3A_100 : i32 to vector<2x16x128xi32>
      %select_n3A_102 = arith.select %eq3A_99, %add3A, %broadcast_in_dim3A_101 : vector<2x16x128xi1>, vector<2x16x128xi32>
      %reduce_min3A = arith.constant dense<2147483647> : vector<2xi32>
      %reduce_min3A_103 = vector.multi_reduction <minsi>, %select_n3A_102, %reduce_min3A [1, 2] : vector<2x16x128xi32> to vector<2xi32>
      %broadcast_in_dim3A_104 = vector.shape_cast %reduce_min3A_103 : vector<2xi32> to vector<2x1x1xi32>
      scf.yield %min3A, %broadcast_in_dim3A_104 : vector<2x16x128xf32>, vector<2x1x1xi32>
    }
    %scan3A_22 = arith.constant 1024 : i32
    return
  }
}

module attributes {stable_mosaic.version = 14 : i64} {
  func.func @_fps_body(%arg0: memref<2x8x128xf32, #tpu.memory_space<vmem>>, %arg1: memref<2x8x128xf32, #tpu.memory_space<vmem>>, %arg2: memref<2x8x128xf32, #tpu.memory_space<vmem>>, %arg3: memref<512x128xf32, #tpu.memory_space<vmem>>) attributes {dimension_semantics = [], scalar_prefetch = 0 : i64, scratch_operands = 0 : i64, tpu.core_type = #tpu.core_type<tc>} {
    %get3A = arith.constant 0 : index
    %get3A_0 = arith.constant 0 : index
    %get3A_1 = arith.constant 0 : index
    %get3A_2 = vector.load %arg0[%get3A, %get3A_0, %get3A_1] : memref<2x8x128xf32, #tpu.memory_space<vmem>>, vector<2x8x128xf32>
    %get3A_3 = arith.constant 0 : index
    %get3A_4 = arith.constant 0 : index
    %get3A_5 = arith.constant 0 : index
    %get3A_6 = vector.load %arg1[%get3A_3, %get3A_4, %get3A_5] : memref<2x8x128xf32, #tpu.memory_space<vmem>>, vector<2x8x128xf32>
    %get3A_7 = arith.constant 0 : index
    %get3A_8 = arith.constant 0 : index
    %get3A_9 = arith.constant 0 : index
    %get3A_10 = vector.load %arg2[%get3A_7, %get3A_8, %get3A_9] : memref<2x8x128xf32, #tpu.memory_space<vmem>>, vector<2x8x128xf32>
    %iota3A = tpu.iota {dimensions = array<i32: 1>} : vector<2x8x128xi32>
    %iota3A_11 = tpu.iota {dimensions = array<i32: 2>} : vector<2x8x128xi32>
    %mul3A = arith.constant 128 : i32
    %mul3A_12 = vector.broadcast %mul3A : i32 to vector<2x8x128xi32>
    %mul3A_13 = arith.muli %iota3A, %mul3A_12 : vector<2x8x128xi32>
    %add3A = arith.addi %mul3A_13, %iota3A_11 : vector<2x8x128xi32>
    %iota3A_14 = tpu.iota {dimensions = array<i32: 1>} : vector<1x128xi32>
    %broadcast_in_dim3A = arith.constant 1.000000e+10 : f32
    %broadcast_in_dim3A_15 = vector.broadcast %broadcast_in_dim3A : f32 to vector<2x8x128xf32>
    %broadcast_in_dim3A_16 = arith.constant 0 : i32
    %broadcast_in_dim3A_17 = vector.broadcast %broadcast_in_dim3A_16 : i32 to vector<2x1x1xi32>
    %scan3A = arith.constant 0 : i32
    %scan3A_18 = arith.constant 512 : i32
    %scan3A_19 = arith.addi %scan3A, %scan3A_18 : i32
    %scan3A_20 = arith.constant 1 : i32
    %scan3A_21:2 = scf.for %scan3A_23 = %scan3A to %scan3A_19 step %scan3A_20 iter_args(%scan3A_24 = %broadcast_in_dim3A_15, %scan3A_25 = %broadcast_in_dim3A_17) -> (vector<2x8x128xf32>, vector<2x1x1xi32>)  : i32 {
      %eq3A = vector.broadcast %scan3A_25 : vector<2x1x1xi32> to vector<2x8x128xi32>
      %eq3A_26 = arith.cmpi eq, %add3A, %eq3A : vector<2x8x128xi32>
      %jit3A = arith.constant 0.000000e+00 : f32
      %broadcast_in_dim3A_27 = vector.broadcast %jit3A : f32 to vector<2x8x128xf32>
      %select_n3A = arith.select %eq3A_26, %get3A_2, %broadcast_in_dim3A_27 : vector<2x8x128xi1>, vector<2x8x128xf32>
      %reduce_sum3A = arith.constant dense<0.000000e+00> : vector<2xf32>
      %reduce_sum3A_28 = vector.multi_reduction <add>, %select_n3A, %reduce_sum3A [1, 2] : vector<2x8x128xf32> to vector<2xf32>
      %broadcast_in_dim3A_29 = vector.shape_cast %reduce_sum3A_28 : vector<2xf32> to vector<2x1x1xf32>
      %jit3A_30 = arith.constant 0.000000e+00 : f32
      %broadcast_in_dim3A_31 = vector.broadcast %jit3A_30 : f32 to vector<2x8x128xf32>
      %select_n3A_32 = arith.select %eq3A_26, %get3A_6, %broadcast_in_dim3A_31 : vector<2x8x128xi1>, vector<2x8x128xf32>
      %reduce_sum3A_33 = arith.constant dense<0.000000e+00> : vector<2xf32>
      %reduce_sum3A_34 = vector.multi_reduction <add>, %select_n3A_32, %reduce_sum3A_33 [1, 2] : vector<2x8x128xf32> to vector<2xf32>
      %broadcast_in_dim3A_35 = vector.shape_cast %reduce_sum3A_34 : vector<2xf32> to vector<2x1x1xf32>
      %jit3A_36 = arith.constant 0.000000e+00 : f32
      %broadcast_in_dim3A_37 = vector.broadcast %jit3A_36 : f32 to vector<2x8x128xf32>
      %select_n3A_38 = arith.select %eq3A_26, %get3A_10, %broadcast_in_dim3A_37 : vector<2x8x128xi1>, vector<2x8x128xf32>
      %reduce_sum3A_39 = arith.constant dense<0.000000e+00> : vector<2xf32>
      %reduce_sum3A_40 = vector.multi_reduction <add>, %select_n3A_38, %reduce_sum3A_39 [1, 2] : vector<2x8x128xf32> to vector<2xf32>
      %broadcast_in_dim3A_41 = vector.shape_cast %reduce_sum3A_40 : vector<2xf32> to vector<2x1x1xf32>
      %broadcast_in_dim3A_42 = arith.constant 0.000000e+00 : f32
      %broadcast_in_dim3A_43 = vector.broadcast %broadcast_in_dim3A_42 : f32 to vector<1x128xf32>
      %eq3A_44 = arith.constant 0 : i32
      %eq3A_45 = vector.broadcast %eq3A_44 : i32 to vector<1x128xi32>
      %eq3A_46 = arith.cmpi eq, %iota3A_14, %eq3A_45 : vector<1x128xi32>
      %slice3A = vector.extract_strided_slice %broadcast_in_dim3A_29 {offsets = [0, 0, 0], sizes = [1, 1, 1], strides = [1, 1, 1]} : vector<2x1x1xf32> to vector<1x1x1xf32>
      %squeeze3A = vector.extract %slice3A[0, 0, 0] : f32 from vector<1x1x1xf32>
      %broadcast_in_dim3A_47 = vector.broadcast %squeeze3A : f32 to vector<1x128xf32>
      %select_n3A_48 = arith.select %eq3A_46, %broadcast_in_dim3A_47, %broadcast_in_dim3A_43 : vector<1x128xi1>, vector<1x128xf32>
      %eq3A_49 = arith.constant 1 : i32
      %eq3A_50 = vector.broadcast %eq3A_49 : i32 to vector<1x128xi32>
      %eq3A_51 = arith.cmpi eq, %iota3A_14, %eq3A_50 : vector<1x128xi32>
      %slice3A_52 = vector.extract_strided_slice %broadcast_in_dim3A_35 {offsets = [0, 0, 0], sizes = [1, 1, 1], strides = [1, 1, 1]} : vector<2x1x1xf32> to vector<1x1x1xf32>
      %squeeze3A_53 = vector.extract %slice3A_52[0, 0, 0] : f32 from vector<1x1x1xf32>
      %broadcast_in_dim3A_54 = vector.broadcast %squeeze3A_53 : f32 to vector<1x128xf32>
      %select_n3A_55 = arith.select %eq3A_51, %broadcast_in_dim3A_54, %select_n3A_48 : vector<1x128xi1>, vector<1x128xf32>
      %eq3A_56 = arith.constant 2 : i32
      %eq3A_57 = vector.broadcast %eq3A_56 : i32 to vector<1x128xi32>
      %eq3A_58 = arith.cmpi eq, %iota3A_14, %eq3A_57 : vector<1x128xi32>
      %slice3A_59 = vector.extract_strided_slice %broadcast_in_dim3A_41 {offsets = [0, 0, 0], sizes = [1, 1, 1], strides = [1, 1, 1]} : vector<2x1x1xf32> to vector<1x1x1xf32>
      %squeeze3A_60 = vector.extract %slice3A_59[0, 0, 0] : f32 from vector<1x1x1xf32>
      %broadcast_in_dim3A_61 = vector.broadcast %squeeze3A_60 : f32 to vector<1x128xf32>
      %select_n3A_62 = arith.select %eq3A_58, %broadcast_in_dim3A_61, %select_n3A_55 : vector<1x128xi1>, vector<1x128xf32>
      %eq3A_63 = arith.constant 3 : i32
      %eq3A_64 = vector.broadcast %eq3A_63 : i32 to vector<1x128xi32>
      %eq3A_65 = arith.cmpi eq, %iota3A_14, %eq3A_64 : vector<1x128xi32>
      %slice3A_66 = vector.extract_strided_slice %broadcast_in_dim3A_29 {offsets = [1, 0, 0], sizes = [1, 1, 1], strides = [1, 1, 1]} : vector<2x1x1xf32> to vector<1x1x1xf32>
      %squeeze3A_67 = vector.extract %slice3A_66[0, 0, 0] : f32 from vector<1x1x1xf32>
      %broadcast_in_dim3A_68 = vector.broadcast %squeeze3A_67 : f32 to vector<1x128xf32>
      %select_n3A_69 = arith.select %eq3A_65, %broadcast_in_dim3A_68, %select_n3A_62 : vector<1x128xi1>, vector<1x128xf32>
      %eq3A_70 = arith.constant 4 : i32
      %eq3A_71 = vector.broadcast %eq3A_70 : i32 to vector<1x128xi32>
      %eq3A_72 = arith.cmpi eq, %iota3A_14, %eq3A_71 : vector<1x128xi32>
      %slice3A_73 = vector.extract_strided_slice %broadcast_in_dim3A_35 {offsets = [1, 0, 0], sizes = [1, 1, 1], strides = [1, 1, 1]} : vector<2x1x1xf32> to vector<1x1x1xf32>
      %squeeze3A_74 = vector.extract %slice3A_73[0, 0, 0] : f32 from vector<1x1x1xf32>
      %broadcast_in_dim3A_75 = vector.broadcast %squeeze3A_74 : f32 to vector<1x128xf32>
      %select_n3A_76 = arith.select %eq3A_72, %broadcast_in_dim3A_75, %select_n3A_69 : vector<1x128xi1>, vector<1x128xf32>
      %eq3A_77 = arith.constant 5 : i32
      %eq3A_78 = vector.broadcast %eq3A_77 : i32 to vector<1x128xi32>
      %eq3A_79 = arith.cmpi eq, %iota3A_14, %eq3A_78 : vector<1x128xi32>
      %slice3A_80 = vector.extract_strided_slice %broadcast_in_dim3A_41 {offsets = [1, 0, 0], sizes = [1, 1, 1], strides = [1, 1, 1]} : vector<2x1x1xf32> to vector<1x1x1xf32>
      %squeeze3A_81 = vector.extract %slice3A_80[0, 0, 0] : f32 from vector<1x1x1xf32>
      %broadcast_in_dim3A_82 = vector.broadcast %squeeze3A_81 : f32 to vector<1x128xf32>
      %select_n3A_83 = arith.select %eq3A_79, %broadcast_in_dim3A_82, %select_n3A_76 : vector<1x128xi1>, vector<1x128xf32>
      %swap3A = arith.index_cast %scan3A_23 : i32 to index
      %swap3A_84 = arith.constant 0 : index
      %swap3A_85 = vector.load %arg3[%swap3A, %swap3A_84] : memref<512x128xf32, #tpu.memory_space<vmem>>, vector<1x128xf32>
      tpu.vector_store %arg3[%swap3A, %swap3A_84], %select_n3A_83 {strides = array<i32>} : memref<512x128xf32, #tpu.memory_space<vmem>>, vector<1x128xf32>,
      %sub3A = vector.broadcast %broadcast_in_dim3A_29 : vector<2x1x1xf32> to vector<2x8x128xf32>
      %sub3A_86 = arith.subf %get3A_2, %sub3A : vector<2x8x128xf32>
      %sub3A_87 = vector.broadcast %broadcast_in_dim3A_35 : vector<2x1x1xf32> to vector<2x8x128xf32>
      %sub3A_88 = arith.subf %get3A_6, %sub3A_87 : vector<2x8x128xf32>
      %sub3A_89 = vector.broadcast %broadcast_in_dim3A_41 : vector<2x1x1xf32> to vector<2x8x128xf32>
      %sub3A_90 = arith.subf %get3A_10, %sub3A_89 : vector<2x8x128xf32>
      %mul3A_91 = arith.mulf %sub3A_86, %sub3A_86 : vector<2x8x128xf32>
      %mul3A_92 = arith.mulf %sub3A_88, %sub3A_88 : vector<2x8x128xf32>
      %add3A_93 = arith.addf %mul3A_91, %mul3A_92 : vector<2x8x128xf32>
      %mul3A_94 = arith.mulf %sub3A_90, %sub3A_90 : vector<2x8x128xf32>
      %add3A_95 = arith.addf %add3A_93, %mul3A_94 : vector<2x8x128xf32>
      %min3A = arith.minimumf %scan3A_24, %add3A_95 : vector<2x8x128xf32>
      %reduce_max3A = arith.constant dense<0xFF800000> : vector<2xf32>
      %reduce_max3A_96 = vector.multi_reduction <maximumf>, %min3A, %reduce_max3A [1, 2] : vector<2x8x128xf32> to vector<2xf32>
      %broadcast_in_dim3A_97 = vector.shape_cast %reduce_max3A_96 : vector<2xf32> to vector<2x1x1xf32>
      %eq3A_98 = vector.broadcast %broadcast_in_dim3A_97 : vector<2x1x1xf32> to vector<2x8x128xf32>
      %eq3A_99 = arith.cmpf oeq, %min3A, %eq3A_98 : vector<2x8x128xf32>
      %jit3A_100 = arith.constant 1024 : i32
      %broadcast_in_dim3A_101 = vector.broadcast %jit3A_100 : i32 to vector<2x8x128xi32>
      %select_n3A_102 = arith.select %eq3A_99, %add3A, %broadcast_in_dim3A_101 : vector<2x8x128xi1>, vector<2x8x128xi32>
      %reduce_min3A = arith.constant dense<2147483647> : vector<2xi32>
      %reduce_min3A_103 = vector.multi_reduction <minsi>, %select_n3A_102, %reduce_min3A [1, 2] : vector<2x8x128xi32> to vector<2xi32>
      %broadcast_in_dim3A_104 = vector.shape_cast %reduce_min3A_103 : vector<2xi32> to vector<2x1x1xi32>
      scf.yield %min3A, %broadcast_in_dim3A_104 : vector<2x8x128xf32>, vector<2x1x1xi32>
    }
    %scan3A_22 = arith.constant 512 : i32
    return
  }
}

module attributes {stable_mosaic.version = 14 : i64} {
  func.func @_fps_body(%arg0: memref<2x4x128xf32, #tpu.memory_space<vmem>>, %arg1: memref<2x4x128xf32, #tpu.memory_space<vmem>>, %arg2: memref<2x4x128xf32, #tpu.memory_space<vmem>>, %arg3: memref<256x128xf32, #tpu.memory_space<vmem>>) attributes {dimension_semantics = [], scalar_prefetch = 0 : i64, scratch_operands = 0 : i64, tpu.core_type = #tpu.core_type<tc>} {
    %get3A = arith.constant 0 : index
    %get3A_0 = arith.constant 0 : index
    %get3A_1 = arith.constant 0 : index
    %get3A_2 = vector.load %arg0[%get3A, %get3A_0, %get3A_1] : memref<2x4x128xf32, #tpu.memory_space<vmem>>, vector<2x4x128xf32>
    %get3A_3 = arith.constant 0 : index
    %get3A_4 = arith.constant 0 : index
    %get3A_5 = arith.constant 0 : index
    %get3A_6 = vector.load %arg1[%get3A_3, %get3A_4, %get3A_5] : memref<2x4x128xf32, #tpu.memory_space<vmem>>, vector<2x4x128xf32>
    %get3A_7 = arith.constant 0 : index
    %get3A_8 = arith.constant 0 : index
    %get3A_9 = arith.constant 0 : index
    %get3A_10 = vector.load %arg2[%get3A_7, %get3A_8, %get3A_9] : memref<2x4x128xf32, #tpu.memory_space<vmem>>, vector<2x4x128xf32>
    %iota3A = tpu.iota {dimensions = array<i32: 1>} : vector<2x4x128xi32>
    %iota3A_11 = tpu.iota {dimensions = array<i32: 2>} : vector<2x4x128xi32>
    %mul3A = arith.constant 128 : i32
    %mul3A_12 = vector.broadcast %mul3A : i32 to vector<2x4x128xi32>
    %mul3A_13 = arith.muli %iota3A, %mul3A_12 : vector<2x4x128xi32>
    %add3A = arith.addi %mul3A_13, %iota3A_11 : vector<2x4x128xi32>
    %iota3A_14 = tpu.iota {dimensions = array<i32: 1>} : vector<1x128xi32>
    %broadcast_in_dim3A = arith.constant 1.000000e+10 : f32
    %broadcast_in_dim3A_15 = vector.broadcast %broadcast_in_dim3A : f32 to vector<2x4x128xf32>
    %broadcast_in_dim3A_16 = arith.constant 0 : i32
    %broadcast_in_dim3A_17 = vector.broadcast %broadcast_in_dim3A_16 : i32 to vector<2x1x1xi32>
    %scan3A = arith.constant 0 : i32
    %scan3A_18 = arith.constant 256 : i32
    %scan3A_19 = arith.addi %scan3A, %scan3A_18 : i32
    %scan3A_20 = arith.constant 1 : i32
    %scan3A_21:2 = scf.for %scan3A_23 = %scan3A to %scan3A_19 step %scan3A_20 iter_args(%scan3A_24 = %broadcast_in_dim3A_15, %scan3A_25 = %broadcast_in_dim3A_17) -> (vector<2x4x128xf32>, vector<2x1x1xi32>)  : i32 {
      %eq3A = vector.broadcast %scan3A_25 : vector<2x1x1xi32> to vector<2x4x128xi32>
      %eq3A_26 = arith.cmpi eq, %add3A, %eq3A : vector<2x4x128xi32>
      %jit3A = arith.constant 0.000000e+00 : f32
      %broadcast_in_dim3A_27 = vector.broadcast %jit3A : f32 to vector<2x4x128xf32>
      %select_n3A = arith.select %eq3A_26, %get3A_2, %broadcast_in_dim3A_27 : vector<2x4x128xi1>, vector<2x4x128xf32>
      %reduce_sum3A = arith.constant dense<0.000000e+00> : vector<2xf32>
      %reduce_sum3A_28 = vector.multi_reduction <add>, %select_n3A, %reduce_sum3A [1, 2] : vector<2x4x128xf32> to vector<2xf32>
      %broadcast_in_dim3A_29 = vector.shape_cast %reduce_sum3A_28 : vector<2xf32> to vector<2x1x1xf32>
      %jit3A_30 = arith.constant 0.000000e+00 : f32
      %broadcast_in_dim3A_31 = vector.broadcast %jit3A_30 : f32 to vector<2x4x128xf32>
      %select_n3A_32 = arith.select %eq3A_26, %get3A_6, %broadcast_in_dim3A_31 : vector<2x4x128xi1>, vector<2x4x128xf32>
      %reduce_sum3A_33 = arith.constant dense<0.000000e+00> : vector<2xf32>
      %reduce_sum3A_34 = vector.multi_reduction <add>, %select_n3A_32, %reduce_sum3A_33 [1, 2] : vector<2x4x128xf32> to vector<2xf32>
      %broadcast_in_dim3A_35 = vector.shape_cast %reduce_sum3A_34 : vector<2xf32> to vector<2x1x1xf32>
      %jit3A_36 = arith.constant 0.000000e+00 : f32
      %broadcast_in_dim3A_37 = vector.broadcast %jit3A_36 : f32 to vector<2x4x128xf32>
      %select_n3A_38 = arith.select %eq3A_26, %get3A_10, %broadcast_in_dim3A_37 : vector<2x4x128xi1>, vector<2x4x128xf32>
      %reduce_sum3A_39 = arith.constant dense<0.000000e+00> : vector<2xf32>
      %reduce_sum3A_40 = vector.multi_reduction <add>, %select_n3A_38, %reduce_sum3A_39 [1, 2] : vector<2x4x128xf32> to vector<2xf32>
      %broadcast_in_dim3A_41 = vector.shape_cast %reduce_sum3A_40 : vector<2xf32> to vector<2x1x1xf32>
      %broadcast_in_dim3A_42 = arith.constant 0.000000e+00 : f32
      %broadcast_in_dim3A_43 = vector.broadcast %broadcast_in_dim3A_42 : f32 to vector<1x128xf32>
      %eq3A_44 = arith.constant 0 : i32
      %eq3A_45 = vector.broadcast %eq3A_44 : i32 to vector<1x128xi32>
      %eq3A_46 = arith.cmpi eq, %iota3A_14, %eq3A_45 : vector<1x128xi32>
      %slice3A = vector.extract_strided_slice %broadcast_in_dim3A_29 {offsets = [0, 0, 0], sizes = [1, 1, 1], strides = [1, 1, 1]} : vector<2x1x1xf32> to vector<1x1x1xf32>
      %squeeze3A = vector.extract %slice3A[0, 0, 0] : f32 from vector<1x1x1xf32>
      %broadcast_in_dim3A_47 = vector.broadcast %squeeze3A : f32 to vector<1x128xf32>
      %select_n3A_48 = arith.select %eq3A_46, %broadcast_in_dim3A_47, %broadcast_in_dim3A_43 : vector<1x128xi1>, vector<1x128xf32>
      %eq3A_49 = arith.constant 1 : i32
      %eq3A_50 = vector.broadcast %eq3A_49 : i32 to vector<1x128xi32>
      %eq3A_51 = arith.cmpi eq, %iota3A_14, %eq3A_50 : vector<1x128xi32>
      %slice3A_52 = vector.extract_strided_slice %broadcast_in_dim3A_35 {offsets = [0, 0, 0], sizes = [1, 1, 1], strides = [1, 1, 1]} : vector<2x1x1xf32> to vector<1x1x1xf32>
      %squeeze3A_53 = vector.extract %slice3A_52[0, 0, 0] : f32 from vector<1x1x1xf32>
      %broadcast_in_dim3A_54 = vector.broadcast %squeeze3A_53 : f32 to vector<1x128xf32>
      %select_n3A_55 = arith.select %eq3A_51, %broadcast_in_dim3A_54, %select_n3A_48 : vector<1x128xi1>, vector<1x128xf32>
      %eq3A_56 = arith.constant 2 : i32
      %eq3A_57 = vector.broadcast %eq3A_56 : i32 to vector<1x128xi32>
      %eq3A_58 = arith.cmpi eq, %iota3A_14, %eq3A_57 : vector<1x128xi32>
      %slice3A_59 = vector.extract_strided_slice %broadcast_in_dim3A_41 {offsets = [0, 0, 0], sizes = [1, 1, 1], strides = [1, 1, 1]} : vector<2x1x1xf32> to vector<1x1x1xf32>
      %squeeze3A_60 = vector.extract %slice3A_59[0, 0, 0] : f32 from vector<1x1x1xf32>
      %broadcast_in_dim3A_61 = vector.broadcast %squeeze3A_60 : f32 to vector<1x128xf32>
      %select_n3A_62 = arith.select %eq3A_58, %broadcast_in_dim3A_61, %select_n3A_55 : vector<1x128xi1>, vector<1x128xf32>
      %eq3A_63 = arith.constant 3 : i32
      %eq3A_64 = vector.broadcast %eq3A_63 : i32 to vector<1x128xi32>
      %eq3A_65 = arith.cmpi eq, %iota3A_14, %eq3A_64 : vector<1x128xi32>
      %slice3A_66 = vector.extract_strided_slice %broadcast_in_dim3A_29 {offsets = [1, 0, 0], sizes = [1, 1, 1], strides = [1, 1, 1]} : vector<2x1x1xf32> to vector<1x1x1xf32>
      %squeeze3A_67 = vector.extract %slice3A_66[0, 0, 0] : f32 from vector<1x1x1xf32>
      %broadcast_in_dim3A_68 = vector.broadcast %squeeze3A_67 : f32 to vector<1x128xf32>
      %select_n3A_69 = arith.select %eq3A_65, %broadcast_in_dim3A_68, %select_n3A_62 : vector<1x128xi1>, vector<1x128xf32>
      %eq3A_70 = arith.constant 4 : i32
      %eq3A_71 = vector.broadcast %eq3A_70 : i32 to vector<1x128xi32>
      %eq3A_72 = arith.cmpi eq, %iota3A_14, %eq3A_71 : vector<1x128xi32>
      %slice3A_73 = vector.extract_strided_slice %broadcast_in_dim3A_35 {offsets = [1, 0, 0], sizes = [1, 1, 1], strides = [1, 1, 1]} : vector<2x1x1xf32> to vector<1x1x1xf32>
      %squeeze3A_74 = vector.extract %slice3A_73[0, 0, 0] : f32 from vector<1x1x1xf32>
      %broadcast_in_dim3A_75 = vector.broadcast %squeeze3A_74 : f32 to vector<1x128xf32>
      %select_n3A_76 = arith.select %eq3A_72, %broadcast_in_dim3A_75, %select_n3A_69 : vector<1x128xi1>, vector<1x128xf32>
      %eq3A_77 = arith.constant 5 : i32
      %eq3A_78 = vector.broadcast %eq3A_77 : i32 to vector<1x128xi32>
      %eq3A_79 = arith.cmpi eq, %iota3A_14, %eq3A_78 : vector<1x128xi32>
      %slice3A_80 = vector.extract_strided_slice %broadcast_in_dim3A_41 {offsets = [1, 0, 0], sizes = [1, 1, 1], strides = [1, 1, 1]} : vector<2x1x1xf32> to vector<1x1x1xf32>
      %squeeze3A_81 = vector.extract %slice3A_80[0, 0, 0] : f32 from vector<1x1x1xf32>
      %broadcast_in_dim3A_82 = vector.broadcast %squeeze3A_81 : f32 to vector<1x128xf32>
      %select_n3A_83 = arith.select %eq3A_79, %broadcast_in_dim3A_82, %select_n3A_76 : vector<1x128xi1>, vector<1x128xf32>
      %swap3A = arith.index_cast %scan3A_23 : i32 to index
      %swap3A_84 = arith.constant 0 : index
      %swap3A_85 = vector.load %arg3[%swap3A, %swap3A_84] : memref<256x128xf32, #tpu.memory_space<vmem>>, vector<1x128xf32>
      tpu.vector_store %arg3[%swap3A, %swap3A_84], %select_n3A_83 {strides = array<i32>} : memref<256x128xf32, #tpu.memory_space<vmem>>, vector<1x128xf32>,
      %sub3A = vector.broadcast %broadcast_in_dim3A_29 : vector<2x1x1xf32> to vector<2x4x128xf32>
      %sub3A_86 = arith.subf %get3A_2, %sub3A : vector<2x4x128xf32>
      %sub3A_87 = vector.broadcast %broadcast_in_dim3A_35 : vector<2x1x1xf32> to vector<2x4x128xf32>
      %sub3A_88 = arith.subf %get3A_6, %sub3A_87 : vector<2x4x128xf32>
      %sub3A_89 = vector.broadcast %broadcast_in_dim3A_41 : vector<2x1x1xf32> to vector<2x4x128xf32>
      %sub3A_90 = arith.subf %get3A_10, %sub3A_89 : vector<2x4x128xf32>
      %mul3A_91 = arith.mulf %sub3A_86, %sub3A_86 : vector<2x4x128xf32>
      %mul3A_92 = arith.mulf %sub3A_88, %sub3A_88 : vector<2x4x128xf32>
      %add3A_93 = arith.addf %mul3A_91, %mul3A_92 : vector<2x4x128xf32>
      %mul3A_94 = arith.mulf %sub3A_90, %sub3A_90 : vector<2x4x128xf32>
      %add3A_95 = arith.addf %add3A_93, %mul3A_94 : vector<2x4x128xf32>
      %min3A = arith.minimumf %scan3A_24, %add3A_95 : vector<2x4x128xf32>
      %reduce_max3A = arith.constant dense<0xFF800000> : vector<2xf32>
      %reduce_max3A_96 = vector.multi_reduction <maximumf>, %min3A, %reduce_max3A [1, 2] : vector<2x4x128xf32> to vector<2xf32>
      %broadcast_in_dim3A_97 = vector.shape_cast %reduce_max3A_96 : vector<2xf32> to vector<2x1x1xf32>
      %eq3A_98 = vector.broadcast %broadcast_in_dim3A_97 : vector<2x1x1xf32> to vector<2x4x128xf32>
      %eq3A_99 = arith.cmpf oeq, %min3A, %eq3A_98 : vector<2x4x128xf32>
      %jit3A_100 = arith.constant 512 : i32
      %broadcast_in_dim3A_101 = vector.broadcast %jit3A_100 : i32 to vector<2x4x128xi32>
      %select_n3A_102 = arith.select %eq3A_99, %add3A, %broadcast_in_dim3A_101 : vector<2x4x128xi1>, vector<2x4x128xi32>
      %reduce_min3A = arith.constant dense<2147483647> : vector<2xi32>
      %reduce_min3A_103 = vector.multi_reduction <minsi>, %select_n3A_102, %reduce_min3A [1, 2] : vector<2x4x128xi32> to vector<2xi32>
      %broadcast_in_dim3A_104 = vector.shape_cast %reduce_min3A_103 : vector<2xi32> to vector<2x1x1xi32>
      scf.yield %min3A, %broadcast_in_dim3A_104 : vector<2x4x128xf32>, vector<2x1x1xi32>
    }
    %scan3A_22 = arith.constant 256 : i32
    return
  }
}

module attributes {stable_mosaic.version = 14 : i64} {
  func.func @_mlp_stage_body(%arg0: i32, %arg1: i32, %arg2: memref<1x128x64x3xf32, #tpu.memory_space<vmem>>, %arg3: memref<1x3xf32, #tpu.memory_space<vmem>>, %arg4: memref<1x3xf32, #tpu.memory_space<vmem>>, %arg5: memref<1x3xf32, #tpu.memory_space<vmem>>, %arg6: memref<1x3xf32, #tpu.memory_space<vmem>>, %arg7: memref<1x3xf32, #tpu.memory_space<vmem>>, %arg8: memref<64x3xf32, #tpu.memory_space<vmem>>, %arg9: memref<1x64xf32, #tpu.memory_space<vmem>>, %arg10: memref<1x128x64x64xf32, #tpu.memory_space<vmem>>) attributes {dimension_semantics = [#tpu.dimension_semantics<arbitrary>, #tpu.dimension_semantics<arbitrary>], iteration_bounds = array<i64: 2, 16>, scalar_prefetch = 0 : i64, scratch_operands = 0 : i64, tpu.core_type = #tpu.core_type<tc>, window_params = [{transform_indices = @transform_0, window_bounds = array<i64: 1, 128, 64, 3>}, {pipeline_mode = #tpu.pipeline_mode<synchronous>, transform_indices = @transform_1, window_bounds = array<i64: 1, 3>}, {pipeline_mode = #tpu.pipeline_mode<synchronous>, transform_indices = @transform_2, window_bounds = array<i64: 1, 3>}, {pipeline_mode = #tpu.pipeline_mode<synchronous>, transform_indices = @transform_3, window_bounds = array<i64: 1, 3>}, {pipeline_mode = #tpu.pipeline_mode<synchronous>, transform_indices = @transform_4, window_bounds = array<i64: 1, 3>}, {pipeline_mode = #tpu.pipeline_mode<synchronous>, transform_indices = @transform_5, window_bounds = array<i64: 1, 3>}, {pipeline_mode = #tpu.pipeline_mode<synchronous>, transform_indices = @transform_6, window_bounds = array<i64: 64, 3>}, {pipeline_mode = #tpu.pipeline_mode<synchronous>, transform_indices = @transform_7, window_bounds = array<i64: 1, 64>}, {transform_indices = @transform_8, window_bounds = array<i64: 1, 128, 64, 64>}]} {
    %get3A = arith.constant 0 : index
    %get3A_0 = arith.constant 0 : index
    %get3A_1 = arith.constant 0 : index
    %get3A_2 = arith.constant 0 : index
    %get3A_3 = vector.load %arg2[%get3A, %get3A_0, %get3A_1, %get3A_2] : memref<1x128x64x3xf32, #tpu.memory_space<vmem>>, vector<1x128x64x3xf32>
    %get3A_4 = vector.shape_cast %get3A_3 : vector<1x128x64x3xf32> to vector<128x64x3xf32>
    %reshape3A = vector.shape_cast %get3A_4 : vector<128x64x3xf32> to vector<8192x3xf32>
    %get3A_5 = arith.constant 0 : index
    %get3A_6 = arith.constant 0 : index
    %get3A_7 = vector.load %arg3[%get3A_5, %get3A_6] : memref<1x3xf32, #tpu.memory_space<vmem>>, vector<1x3xf32>
    %get3A_8 = vector.shape_cast %get3A_7 : vector<1x3xf32> to vector<3xf32>
    %broadcast_in_dim3A = vector.shape_cast %get3A_8 : vector<3xf32> to vector<1x3xf32>
    %get3A_9 = arith.constant 0 : index
    %get3A_10 = arith.constant 0 : index
    %get3A_11 = vector.load %arg4[%get3A_9, %get3A_10] : memref<1x3xf32, #tpu.memory_space<vmem>>, vector<1x3xf32>
    %get3A_12 = vector.shape_cast %get3A_11 : vector<1x3xf32> to vector<3xf32>
    %broadcast_in_dim3A_13 = vector.shape_cast %get3A_12 : vector<3xf32> to vector<1x3xf32>
    %get3A_14 = arith.constant 0 : index
    %get3A_15 = arith.constant 0 : index
    %get3A_16 = vector.load %arg5[%get3A_14, %get3A_15] : memref<1x3xf32, #tpu.memory_space<vmem>>, vector<1x3xf32>
    %get3A_17 = vector.shape_cast %get3A_16 : vector<1x3xf32> to vector<3xf32>
    %broadcast_in_dim3A_18 = vector.shape_cast %get3A_17 : vector<3xf32> to vector<1x3xf32>
    %get3A_19 = arith.constant 0 : index
    %get3A_20 = arith.constant 0 : index
    %get3A_21 = vector.load %arg6[%get3A_19, %get3A_20] : memref<1x3xf32, #tpu.memory_space<vmem>>, vector<1x3xf32>
    %get3A_22 = vector.shape_cast %get3A_21 : vector<1x3xf32> to vector<3xf32>
    %broadcast_in_dim3A_23 = vector.shape_cast %get3A_22 : vector<3xf32> to vector<1x3xf32>
    %get3A_24 = arith.constant 0 : index
    %get3A_25 = arith.constant 0 : index
    %get3A_26 = vector.load %arg7[%get3A_24, %get3A_25] : memref<1x3xf32, #tpu.memory_space<vmem>>, vector<1x3xf32>
    %get3A_27 = vector.shape_cast %get3A_26 : vector<1x3xf32> to vector<3xf32>
    %broadcast_in_dim3A_28 = vector.shape_cast %get3A_27 : vector<3xf32> to vector<1x3xf32>
    %sub3A = vector.broadcast %broadcast_in_dim3A : vector<1x3xf32> to vector<8192x3xf32>
    %sub3A_29 = arith.subf %reshape3A, %sub3A : vector<8192x3xf32>
    %div3A = vector.broadcast %broadcast_in_dim3A_13 : vector<1x3xf32> to vector<8192x3xf32>
    %div3A_30 = arith.divf %sub3A_29, %div3A : vector<8192x3xf32>
    %mul3A = vector.broadcast %broadcast_in_dim3A_18 : vector<1x3xf32> to vector<8192x3xf32>
    %mul3A_31 = arith.mulf %div3A_30, %mul3A : vector<8192x3xf32>
    %add3A = vector.broadcast %broadcast_in_dim3A_23 : vector<1x3xf32> to vector<8192x3xf32>
    %add3A_32 = arith.addf %mul3A_31, %add3A : vector<8192x3xf32>
    %max3A = vector.broadcast %broadcast_in_dim3A_28 : vector<1x3xf32> to vector<8192x3xf32>
    %max3A_33 = arith.maximumf %add3A_32, %max3A : vector<8192x3xf32>
    %get3A_34 = arith.constant 0 : index
    %get3A_35 = arith.constant 0 : index
    %get3A_36 = vector.load %arg8[%get3A_34, %get3A_35] : memref<64x3xf32, #tpu.memory_space<vmem>>, vector<64x3xf32>
    %dot_general3A = arith.constant dense<0.000000e+00> : vector<8192x64xf32>
    %dot_general3A_37 = tpu.matmul %max3A_33, %get3A_36, %dot_general3A {dimension_numbers = #tpu.dot_dimension_numbers<[1], [1], [0], [0], [0, 0, 1, 0], [], []>, transpose_lhs_hint = false} : vector<8192x3xf32>, vector<64x3xf32>, vector<8192x64xf32> -> vector<8192x64xf32>
    %get3A_38 = arith.constant 0 : index
    %get3A_39 = arith.constant 0 : index
    %get3A_40 = vector.load %arg9[%get3A_38, %get3A_39] : memref<1x64xf32, #tpu.memory_space<vmem>>, vector<1x64xf32>
    %get3A_41 = vector.shape_cast %get3A_40 : vector<1x64xf32> to vector<64xf32>
    %broadcast_in_dim3A_42 = vector.shape_cast %get3A_41 : vector<64xf32> to vector<1x64xf32>
    %add3A_43 = vector.broadcast %broadcast_in_dim3A_42 : vector<1x64xf32> to vector<8192x64xf32>
    %add3A_44 = arith.addf %dot_general3A_37, %add3A_43 : vector<8192x64xf32>
    %reshape3A_45 = vector.shape_cast %add3A_44 : vector<8192x64xf32> to vector<128x64x64xf32>
    %swap3A = arith.constant 0 : index
    %swap3A_46 = arith.constant 0 : index
    %swap3A_47 = arith.constant 0 : index
    %swap3A_48 = arith.constant 0 : index
    %swap3A_49 = vector.load %arg10[%swap3A, %swap3A_46, %swap3A_47, %swap3A_48] : memref<1x128x64x64xf32, #tpu.memory_space<vmem>>, vector<1x128x64x64xf32>
    %swap3A_50 = vector.shape_cast %swap3A_49 : vector<1x128x64x64xf32> to vector<128x64x64xf32>
    %swap3A_51 = vector.shape_cast %reshape3A_45 : vector<128x64x64xf32> to vector<1x128x64x64xf32>
    tpu.vector_store %arg10[%swap3A, %swap3A_46, %swap3A_47, %swap3A_48], %swap3A_51 {strides = array<i32>} : memref<1x128x64x64xf32, #tpu.memory_space<vmem>>, vector<1x128x64x64xf32>,
    return
  }
  func.func @transform_0(%arg0: i32, %arg1: i32) -> (i32, i32, i32, i32) {
    %c0_i32 = arith.constant 0 : i32
    %c0_i32_0 = arith.constant 0 : i32
    %c0_i32_1 = arith.constant 0 : i32
    return %arg0, %arg1, %c0_i32, %c0_i32_0 : i32, i32, i32, i32
  }
  func.func @transform_1(%arg0: i32, %arg1: i32) -> (i32, i32) {
    %c0_i32 = arith.constant 0 : i32
    %c0_i32_0 = arith.constant 0 : i32
    %c0_i32_1 = arith.constant 0 : i32
    return %c0_i32, %c0_i32_0 : i32, i32
  }
  func.func @transform_2(%arg0: i32, %arg1: i32) -> (i32, i32) {
    %c0_i32 = arith.constant 0 : i32
    %c0_i32_0 = arith.constant 0 : i32
    %c0_i32_1 = arith.constant 0 : i32
    return %c0_i32, %c0_i32_0 : i32, i32
  }
  func.func @transform_3(%arg0: i32, %arg1: i32) -> (i32, i32) {
    %c0_i32 = arith.constant 0 : i32
    %c0_i32_0 = arith.constant 0 : i32
    %c0_i32_1 = arith.constant 0 : i32
    return %c0_i32, %c0_i32_0 : i32, i32
  }
  func.func @transform_4(%arg0: i32, %arg1: i32) -> (i32, i32) {
    %c0_i32 = arith.constant 0 : i32
    %c0_i32_0 = arith.constant 0 : i32
    %c0_i32_1 = arith.constant 0 : i32
    return %c0_i32, %c0_i32_0 : i32, i32
  }
  func.func @transform_5(%arg0: i32, %arg1: i32) -> (i32, i32) {
    %c0_i32 = arith.constant 0 : i32
    %c0_i32_0 = arith.constant 0 : i32
    %c0_i32_1 = arith.constant 0 : i32
    return %c0_i32, %c0_i32_0 : i32, i32
  }
  func.func @transform_6(%arg0: i32, %arg1: i32) -> (i32, i32) {
    %c0_i32 = arith.constant 0 : i32
    %c0_i32_0 = arith.constant 0 : i32
    %c0_i32_1 = arith.constant 0 : i32
    return %c0_i32, %c0_i32_0 : i32, i32
  }
  func.func @transform_7(%arg0: i32, %arg1: i32) -> (i32, i32) {
    %c0_i32 = arith.constant 0 : i32
    %c0_i32_0 = arith.constant 0 : i32
    %c0_i32_1 = arith.constant 0 : i32
    return %c0_i32, %c0_i32_0 : i32, i32
  }
  func.func @transform_8(%arg0: i32, %arg1: i32) -> (i32, i32, i32, i32) {
    %c0_i32 = arith.constant 0 : i32
    %c0_i32_0 = arith.constant 0 : i32
    %c0_i32_1 = arith.constant 0 : i32
    return %arg0, %arg1, %c0_i32, %c0_i32_0 : i32, i32, i32, i32
  }
}

module attributes {stable_mosaic.version = 14 : i64} {
  func.func @_mlp_stage_body(%arg0: i32, %arg1: i32, %arg2: memref<1x128x64x64xf32, #tpu.memory_space<vmem>>, %arg3: memref<1x64xf32, #tpu.memory_space<vmem>>, %arg4: memref<1x64xf32, #tpu.memory_space<vmem>>, %arg5: memref<1x64xf32, #tpu.memory_space<vmem>>, %arg6: memref<1x64xf32, #tpu.memory_space<vmem>>, %arg7: memref<1x64xf32, #tpu.memory_space<vmem>>, %arg8: memref<64x64xf32, #tpu.memory_space<vmem>>, %arg9: memref<1x64xf32, #tpu.memory_space<vmem>>, %arg10: memref<1x128x64x64xf32, #tpu.memory_space<vmem>>) attributes {dimension_semantics = [#tpu.dimension_semantics<arbitrary>, #tpu.dimension_semantics<arbitrary>], iteration_bounds = array<i64: 2, 16>, scalar_prefetch = 0 : i64, scratch_operands = 0 : i64, tpu.core_type = #tpu.core_type<tc>, window_params = [{transform_indices = @transform_0, window_bounds = array<i64: 1, 128, 64, 64>}, {pipeline_mode = #tpu.pipeline_mode<synchronous>, transform_indices = @transform_1, window_bounds = array<i64: 1, 64>}, {pipeline_mode = #tpu.pipeline_mode<synchronous>, transform_indices = @transform_2, window_bounds = array<i64: 1, 64>}, {pipeline_mode = #tpu.pipeline_mode<synchronous>, transform_indices = @transform_3, window_bounds = array<i64: 1, 64>}, {pipeline_mode = #tpu.pipeline_mode<synchronous>, transform_indices = @transform_4, window_bounds = array<i64: 1, 64>}, {pipeline_mode = #tpu.pipeline_mode<synchronous>, transform_indices = @transform_5, window_bounds = array<i64: 1, 64>}, {pipeline_mode = #tpu.pipeline_mode<synchronous>, transform_indices = @transform_6, window_bounds = array<i64: 64, 64>}, {pipeline_mode = #tpu.pipeline_mode<synchronous>, transform_indices = @transform_7, window_bounds = array<i64: 1, 64>}, {transform_indices = @transform_8, window_bounds = array<i64: 1, 128, 64, 64>}]} {
    %get3A = arith.constant 0 : index
    %get3A_0 = arith.constant 0 : index
    %get3A_1 = arith.constant 0 : index
    %get3A_2 = arith.constant 0 : index
    %get3A_3 = vector.load %arg2[%get3A, %get3A_0, %get3A_1, %get3A_2] : memref<1x128x64x64xf32, #tpu.memory_space<vmem>>, vector<1x128x64x64xf32>
    %get3A_4 = vector.shape_cast %get3A_3 : vector<1x128x64x64xf32> to vector<128x64x64xf32>
    %reshape3A = vector.shape_cast %get3A_4 : vector<128x64x64xf32> to vector<8192x64xf32>
    %get3A_5 = arith.constant 0 : index
    %get3A_6 = arith.constant 0 : index
    %get3A_7 = vector.load %arg3[%get3A_5, %get3A_6] : memref<1x64xf32, #tpu.memory_space<vmem>>, vector<1x64xf32>
    %get3A_8 = vector.shape_cast %get3A_7 : vector<1x64xf32> to vector<64xf32>
    %broadcast_in_dim3A = vector.shape_cast %get3A_8 : vector<64xf32> to vector<1x64xf32>
    %get3A_9 = arith.constant 0 : index
    %get3A_10 = arith.constant 0 : index
    %get3A_11 = vector.load %arg4[%get3A_9, %get3A_10] : memref<1x64xf32, #tpu.memory_space<vmem>>, vector<1x64xf32>
    %get3A_12 = vector.shape_cast %get3A_11 : vector<1x64xf32> to vector<64xf32>
    %broadcast_in_dim3A_13 = vector.shape_cast %get3A_12 : vector<64xf32> to vector<1x64xf32>
    %get3A_14 = arith.constant 0 : index
    %get3A_15 = arith.constant 0 : index
    %get3A_16 = vector.load %arg5[%get3A_14, %get3A_15] : memref<1x64xf32, #tpu.memory_space<vmem>>, vector<1x64xf32>
    %get3A_17 = vector.shape_cast %get3A_16 : vector<1x64xf32> to vector<64xf32>
    %broadcast_in_dim3A_18 = vector.shape_cast %get3A_17 : vector<64xf32> to vector<1x64xf32>
    %get3A_19 = arith.constant 0 : index
    %get3A_20 = arith.constant 0 : index
    %get3A_21 = vector.load %arg6[%get3A_19, %get3A_20] : memref<1x64xf32, #tpu.memory_space<vmem>>, vector<1x64xf32>
    %get3A_22 = vector.shape_cast %get3A_21 : vector<1x64xf32> to vector<64xf32>
    %broadcast_in_dim3A_23 = vector.shape_cast %get3A_22 : vector<64xf32> to vector<1x64xf32>
    %get3A_24 = arith.constant 0 : index
    %get3A_25 = arith.constant 0 : index
    %get3A_26 = vector.load %arg7[%get3A_24, %get3A_25] : memref<1x64xf32, #tpu.memory_space<vmem>>, vector<1x64xf32>
    %get3A_27 = vector.shape_cast %get3A_26 : vector<1x64xf32> to vector<64xf32>
    %broadcast_in_dim3A_28 = vector.shape_cast %get3A_27 : vector<64xf32> to vector<1x64xf32>
    %sub3A = vector.broadcast %broadcast_in_dim3A : vector<1x64xf32> to vector<8192x64xf32>
    %sub3A_29 = arith.subf %reshape3A, %sub3A : vector<8192x64xf32>
    %div3A = vector.broadcast %broadcast_in_dim3A_13 : vector<1x64xf32> to vector<8192x64xf32>
    %div3A_30 = arith.divf %sub3A_29, %div3A : vector<8192x64xf32>
    %mul3A = vector.broadcast %broadcast_in_dim3A_18 : vector<1x64xf32> to vector<8192x64xf32>
    %mul3A_31 = arith.mulf %div3A_30, %mul3A : vector<8192x64xf32>
    %add3A = vector.broadcast %broadcast_in_dim3A_23 : vector<1x64xf32> to vector<8192x64xf32>
    %add3A_32 = arith.addf %mul3A_31, %add3A : vector<8192x64xf32>
    %max3A = vector.broadcast %broadcast_in_dim3A_28 : vector<1x64xf32> to vector<8192x64xf32>
    %max3A_33 = arith.maximumf %add3A_32, %max3A : vector<8192x64xf32>
    %get3A_34 = arith.constant 0 : index
    %get3A_35 = arith.constant 0 : index
    %get3A_36 = vector.load %arg8[%get3A_34, %get3A_35] : memref<64x64xf32, #tpu.memory_space<vmem>>, vector<64x64xf32>
    %dot_general3A = arith.constant dense<0.000000e+00> : vector<8192x64xf32>
    %dot_general3A_37 = tpu.matmul %max3A_33, %get3A_36, %dot_general3A {dimension_numbers = #tpu.dot_dimension_numbers<[1], [1], [0], [0], [0, 0, 1, 0], [], []>, transpose_lhs_hint = false} : vector<8192x64xf32>, vector<64x64xf32>, vector<8192x64xf32> -> vector<8192x64xf32>
    %get3A_38 = arith.constant 0 : index
    %get3A_39 = arith.constant 0 : index
    %get3A_40 = vector.load %arg9[%get3A_38, %get3A_39] : memref<1x64xf32, #tpu.memory_space<vmem>>, vector<1x64xf32>
    %get3A_41 = vector.shape_cast %get3A_40 : vector<1x64xf32> to vector<64xf32>
    %broadcast_in_dim3A_42 = vector.shape_cast %get3A_41 : vector<64xf32> to vector<1x64xf32>
    %add3A_43 = vector.broadcast %broadcast_in_dim3A_42 : vector<1x64xf32> to vector<8192x64xf32>
    %add3A_44 = arith.addf %dot_general3A_37, %add3A_43 : vector<8192x64xf32>
    %reshape3A_45 = vector.shape_cast %add3A_44 : vector<8192x64xf32> to vector<128x64x64xf32>
    %swap3A = arith.constant 0 : index
    %swap3A_46 = arith.constant 0 : index
    %swap3A_47 = arith.constant 0 : index
    %swap3A_48 = arith.constant 0 : index
    %swap3A_49 = vector.load %arg10[%swap3A, %swap3A_46, %swap3A_47, %swap3A_48] : memref<1x128x64x64xf32, #tpu.memory_space<vmem>>, vector<1x128x64x64xf32>
    %swap3A_50 = vector.shape_cast %swap3A_49 : vector<1x128x64x64xf32> to vector<128x64x64xf32>
    %swap3A_51 = vector.shape_cast %reshape3A_45 : vector<128x64x64xf32> to vector<1x128x64x64xf32>
    tpu.vector_store %arg10[%swap3A, %swap3A_46, %swap3A_47, %swap3A_48], %swap3A_51 {strides = array<i32>} : memref<1x128x64x64xf32, #tpu.memory_space<vmem>>, vector<1x128x64x64xf32>,
    return
  }
  func.func @transform_0(%arg0: i32, %arg1: i32) -> (i32, i32, i32, i32) {
    %c0_i32 = arith.constant 0 : i32
    %c0_i32_0 = arith.constant 0 : i32
    %c0_i32_1 = arith.constant 0 : i32
    return %arg0, %arg1, %c0_i32, %c0_i32_0 : i32, i32, i32, i32
  }
  func.func @transform_1(%arg0: i32, %arg1: i32) -> (i32, i32) {
    %c0_i32 = arith.constant 0 : i32
    %c0_i32_0 = arith.constant 0 : i32
    %c0_i32_1 = arith.constant 0 : i32
    return %c0_i32, %c0_i32_0 : i32, i32
  }
  func.func @transform_2(%arg0: i32, %arg1: i32) -> (i32, i32) {
    %c0_i32 = arith.constant 0 : i32
    %c0_i32_0 = arith.constant 0 : i32
    %c0_i32_1 = arith.constant 0 : i32
    return %c0_i32, %c0_i32_0 : i32, i32
  }
  func.func @transform_3(%arg0: i32, %arg1: i32) -> (i32, i32) {
    %c0_i32 = arith.constant 0 : i32
    %c0_i32_0 = arith.constant 0 : i32
    %c0_i32_1 = arith.constant 0 : i32
    return %c0_i32, %c0_i32_0 : i32, i32
  }
  func.func @transform_4(%arg0: i32, %arg1: i32) -> (i32, i32) {
    %c0_i32 = arith.constant 0 : i32
    %c0_i32_0 = arith.constant 0 : i32
    %c0_i32_1 = arith.constant 0 : i32
    return %c0_i32, %c0_i32_0 : i32, i32
  }
  func.func @transform_5(%arg0: i32, %arg1: i32) -> (i32, i32) {
    %c0_i32 = arith.constant 0 : i32
    %c0_i32_0 = arith.constant 0 : i32
    %c0_i32_1 = arith.constant 0 : i32
    return %c0_i32, %c0_i32_0 : i32, i32
  }
  func.func @transform_6(%arg0: i32, %arg1: i32) -> (i32, i32) {
    %c0_i32 = arith.constant 0 : i32
    %c0_i32_0 = arith.constant 0 : i32
    %c0_i32_1 = arith.constant 0 : i32
    return %c0_i32, %c0_i32_0 : i32, i32
  }
  func.func @transform_7(%arg0: i32, %arg1: i32) -> (i32, i32) {
    %c0_i32 = arith.constant 0 : i32
    %c0_i32_0 = arith.constant 0 : i32
    %c0_i32_1 = arith.constant 0 : i32
    return %c0_i32, %c0_i32_0 : i32, i32
  }
  func.func @transform_8(%arg0: i32, %arg1: i32) -> (i32, i32, i32, i32) {
    %c0_i32 = arith.constant 0 : i32
    %c0_i32_0 = arith.constant 0 : i32
    %c0_i32_1 = arith.constant 0 : i32
    return %arg0, %arg1, %c0_i32, %c0_i32_0 : i32, i32, i32, i32
  }
}

module attributes {stable_mosaic.version = 14 : i64} {
  func.func @_mlp_stage_body(%arg0: i32, %arg1: i32, %arg2: memref<1x128x64x64xf32, #tpu.memory_space<vmem>>, %arg3: memref<1x64xf32, #tpu.memory_space<vmem>>, %arg4: memref<1x64xf32, #tpu.memory_space<vmem>>, %arg5: memref<1x64xf32, #tpu.memory_space<vmem>>, %arg6: memref<1x64xf32, #tpu.memory_space<vmem>>, %arg7: memref<1x64xf32, #tpu.memory_space<vmem>>, %arg8: memref<128x64xf32, #tpu.memory_space<vmem>>, %arg9: memref<1x128xf32, #tpu.memory_space<vmem>>, %arg10: memref<1x128x64x128xf32, #tpu.memory_space<vmem>>, %arg11: memref<1x128x128xf32, #tpu.memory_space<vmem>>) attributes {dimension_semantics = [#tpu.dimension_semantics<arbitrary>, #tpu.dimension_semantics<arbitrary>], iteration_bounds = array<i64: 2, 16>, scalar_prefetch = 0 : i64, scratch_operands = 0 : i64, tpu.core_type = #tpu.core_type<tc>, window_params = [{transform_indices = @transform_0, window_bounds = array<i64: 1, 128, 64, 64>}, {pipeline_mode = #tpu.pipeline_mode<synchronous>, transform_indices = @transform_1, window_bounds = array<i64: 1, 64>}, {pipeline_mode = #tpu.pipeline_mode<synchronous>, transform_indices = @transform_2, window_bounds = array<i64: 1, 64>}, {pipeline_mode = #tpu.pipeline_mode<synchronous>, transform_indices = @transform_3, window_bounds = array<i64: 1, 64>}, {pipeline_mode = #tpu.pipeline_mode<synchronous>, transform_indices = @transform_4, window_bounds = array<i64: 1, 64>}, {pipeline_mode = #tpu.pipeline_mode<synchronous>, transform_indices = @transform_5, window_bounds = array<i64: 1, 64>}, {pipeline_mode = #tpu.pipeline_mode<synchronous>, transform_indices = @transform_6, window_bounds = array<i64: 128, 64>}, {pipeline_mode = #tpu.pipeline_mode<synchronous>, transform_indices = @transform_7, window_bounds = array<i64: 1, 128>}, {transform_indices = @transform_8, window_bounds = array<i64: 1, 128, 64, 128>}, {transform_indices = @transform_9, window_bounds = array<i64: 1, 128, 128>}]} {
    %get3A = arith.constant 0 : index
    %get3A_0 = arith.constant 0 : index
    %get3A_1 = arith.constant 0 : index
    %get3A_2 = arith.constant 0 : index
    %get3A_3 = vector.load %arg2[%get3A, %get3A_0, %get3A_1, %get3A_2] : memref<1x128x64x64xf32, #tpu.memory_space<vmem>>, vector<1x128x64x64xf32>
    %get3A_4 = vector.shape_cast %get3A_3 : vector<1x128x64x64xf32> to vector<128x64x64xf32>
    %reshape3A = vector.shape_cast %get3A_4 : vector<128x64x64xf32> to vector<8192x64xf32>
    %get3A_5 = arith.constant 0 : index
    %get3A_6 = arith.constant 0 : index
    %get3A_7 = vector.load %arg3[%get3A_5, %get3A_6] : memref<1x64xf32, #tpu.memory_space<vmem>>, vector<1x64xf32>
    %get3A_8 = vector.shape_cast %get3A_7 : vector<1x64xf32> to vector<64xf32>
    %broadcast_in_dim3A = vector.shape_cast %get3A_8 : vector<64xf32> to vector<1x64xf32>
    %get3A_9 = arith.constant 0 : index
    %get3A_10 = arith.constant 0 : index
    %get3A_11 = vector.load %arg4[%get3A_9, %get3A_10] : memref<1x64xf32, #tpu.memory_space<vmem>>, vector<1x64xf32>
    %get3A_12 = vector.shape_cast %get3A_11 : vector<1x64xf32> to vector<64xf32>
    %broadcast_in_dim3A_13 = vector.shape_cast %get3A_12 : vector<64xf32> to vector<1x64xf32>
    %get3A_14 = arith.constant 0 : index
    %get3A_15 = arith.constant 0 : index
    %get3A_16 = vector.load %arg5[%get3A_14, %get3A_15] : memref<1x64xf32, #tpu.memory_space<vmem>>, vector<1x64xf32>
    %get3A_17 = vector.shape_cast %get3A_16 : vector<1x64xf32> to vector<64xf32>
    %broadcast_in_dim3A_18 = vector.shape_cast %get3A_17 : vector<64xf32> to vector<1x64xf32>
    %get3A_19 = arith.constant 0 : index
    %get3A_20 = arith.constant 0 : index
    %get3A_21 = vector.load %arg6[%get3A_19, %get3A_20] : memref<1x64xf32, #tpu.memory_space<vmem>>, vector<1x64xf32>
    %get3A_22 = vector.shape_cast %get3A_21 : vector<1x64xf32> to vector<64xf32>
    %broadcast_in_dim3A_23 = vector.shape_cast %get3A_22 : vector<64xf32> to vector<1x64xf32>
    %get3A_24 = arith.constant 0 : index
    %get3A_25 = arith.constant 0 : index
    %get3A_26 = vector.load %arg7[%get3A_24, %get3A_25] : memref<1x64xf32, #tpu.memory_space<vmem>>, vector<1x64xf32>
    %get3A_27 = vector.shape_cast %get3A_26 : vector<1x64xf32> to vector<64xf32>
    %broadcast_in_dim3A_28 = vector.shape_cast %get3A_27 : vector<64xf32> to vector<1x64xf32>
    %sub3A = vector.broadcast %broadcast_in_dim3A : vector<1x64xf32> to vector<8192x64xf32>
    %sub3A_29 = arith.subf %reshape3A, %sub3A : vector<8192x64xf32>
    %div3A = vector.broadcast %broadcast_in_dim3A_13 : vector<1x64xf32> to vector<8192x64xf32>
    %div3A_30 = arith.divf %sub3A_29, %div3A : vector<8192x64xf32>
    %mul3A = vector.broadcast %broadcast_in_dim3A_18 : vector<1x64xf32> to vector<8192x64xf32>
    %mul3A_31 = arith.mulf %div3A_30, %mul3A : vector<8192x64xf32>
    %add3A = vector.broadcast %broadcast_in_dim3A_23 : vector<1x64xf32> to vector<8192x64xf32>
    %add3A_32 = arith.addf %mul3A_31, %add3A : vector<8192x64xf32>
    %max3A = vector.broadcast %broadcast_in_dim3A_28 : vector<1x64xf32> to vector<8192x64xf32>
    %max3A_33 = arith.maximumf %add3A_32, %max3A : vector<8192x64xf32>
    %get3A_34 = arith.constant 0 : index
    %get3A_35 = arith.constant 0 : index
    %get3A_36 = vector.load %arg8[%get3A_34, %get3A_35] : memref<128x64xf32, #tpu.memory_space<vmem>>, vector<128x64xf32>
    %dot_general3A = arith.constant dense<0.000000e+00> : vector<8192x128xf32>
    %dot_general3A_37 = tpu.matmul %max3A_33, %get3A_36, %dot_general3A {dimension_numbers = #tpu.dot_dimension_numbers<[1], [1], [0], [0], [0, 0, 1, 0], [], []>, transpose_lhs_hint = false} : vector<8192x64xf32>, vector<128x64xf32>, vector<8192x128xf32> -> vector<8192x128xf32>
    %get3A_38 = arith.constant 0 : index
    %get3A_39 = arith.constant 0 : index
    %get3A_40 = vector.load %arg9[%get3A_38, %get3A_39] : memref<1x128xf32, #tpu.memory_space<vmem>>, vector<1x128xf32>
    %get3A_41 = vector.shape_cast %get3A_40 : vector<1x128xf32> to vector<128xf32>
    %broadcast_in_dim3A_42 = vector.shape_cast %get3A_41 : vector<128xf32> to vector<1x128xf32>
    %add3A_43 = vector.broadcast %broadcast_in_dim3A_42 : vector<1x128xf32> to vector<8192x128xf32>
    %add3A_44 = arith.addf %dot_general3A_37, %add3A_43 : vector<8192x128xf32>
    %reshape3A_45 = vector.shape_cast %add3A_44 : vector<8192x128xf32> to vector<128x64x128xf32>
    %swap3A = arith.constant 0 : index
    %swap3A_46 = arith.constant 0 : index
    %swap3A_47 = arith.constant 0 : index
    %swap3A_48 = arith.constant 0 : index
    %swap3A_49 = vector.load %arg10[%swap3A, %swap3A_46, %swap3A_47, %swap3A_48] : memref<1x128x64x128xf32, #tpu.memory_space<vmem>>, vector<1x128x64x128xf32>
    %swap3A_50 = vector.shape_cast %swap3A_49 : vector<1x128x64x128xf32> to vector<128x64x128xf32>
    %swap3A_51 = vector.shape_cast %reshape3A_45 : vector<128x64x128xf32> to vector<1x128x64x128xf32>
    tpu.vector_store %arg10[%swap3A, %swap3A_46, %swap3A_47, %swap3A_48], %swap3A_51 {strides = array<i32>} : memref<1x128x64x128xf32, #tpu.memory_space<vmem>>, vector<1x128x64x128xf32>,
    %reduce_max3A = arith.constant dense<0xFF800000> : vector<128x128xf32>
    %reduce_max3A_52 = vector.multi_reduction <maximumf>, %reshape3A_45, %reduce_max3A [1] : vector<128x64x128xf32> to vector<128x128xf32>
    %swap3A_53 = arith.constant 0 : index
    %swap3A_54 = arith.constant 0 : index
    %swap3A_55 = arith.constant 0 : index
    %swap3A_56 = vector.load %arg11[%swap3A_53, %swap3A_54, %swap3A_55] : memref<1x128x128xf32, #tpu.memory_space<vmem>>, vector<1x128x128xf32>
    %swap3A_57 = vector.shape_cast %swap3A_56 : vector<1x128x128xf32> to vector<128x128xf32>
    %swap3A_58 = vector.shape_cast %reduce_max3A_52 : vector<128x128xf32> to vector<1x128x128xf32>
    tpu.vector_store %arg11[%swap3A_53, %swap3A_54, %swap3A_55], %swap3A_58 {strides = array<i32>} : memref<1x128x128xf32, #tpu.memory_space<vmem>>, vector<1x128x128xf32>,
    return
  }
  func.func @transform_0(%arg0: i32, %arg1: i32) -> (i32, i32, i32, i32) {
    %c0_i32 = arith.constant 0 : i32
    %c0_i32_0 = arith.constant 0 : i32
    %c0_i32_1 = arith.constant 0 : i32
    return %arg0, %arg1, %c0_i32, %c0_i32_0 : i32, i32, i32, i32
  }
  func.func @transform_1(%arg0: i32, %arg1: i32) -> (i32, i32) {
    %c0_i32 = arith.constant 0 : i32
    %c0_i32_0 = arith.constant 0 : i32
    %c0_i32_1 = arith.constant 0 : i32
    return %c0_i32, %c0_i32_0 : i32, i32
  }
  func.func @transform_2(%arg0: i32, %arg1: i32) -> (i32, i32) {
    %c0_i32 = arith.constant 0 : i32
    %c0_i32_0 = arith.constant 0 : i32
    %c0_i32_1 = arith.constant 0 : i32
    return %c0_i32, %c0_i32_0 : i32, i32
  }
  func.func @transform_3(%arg0: i32, %arg1: i32) -> (i32, i32) {
    %c0_i32 = arith.constant 0 : i32
    %c0_i32_0 = arith.constant 0 : i32
    %c0_i32_1 = arith.constant 0 : i32
    return %c0_i32, %c0_i32_0 : i32, i32
  }
  func.func @transform_4(%arg0: i32, %arg1: i32) -> (i32, i32) {
    %c0_i32 = arith.constant 0 : i32
    %c0_i32_0 = arith.constant 0 : i32
    %c0_i32_1 = arith.constant 0 : i32
    return %c0_i32, %c0_i32_0 : i32, i32
  }
  func.func @transform_5(%arg0: i32, %arg1: i32) -> (i32, i32) {
    %c0_i32 = arith.constant 0 : i32
    %c0_i32_0 = arith.constant 0 : i32
    %c0_i32_1 = arith.constant 0 : i32
    return %c0_i32, %c0_i32_0 : i32, i32
  }
  func.func @transform_6(%arg0: i32, %arg1: i32) -> (i32, i32) {
    %c0_i32 = arith.constant 0 : i32
    %c0_i32_0 = arith.constant 0 : i32
    %c0_i32_1 = arith.constant 0 : i32
    return %c0_i32, %c0_i32_0 : i32, i32
  }
  func.func @transform_7(%arg0: i32, %arg1: i32) -> (i32, i32) {
    %c0_i32 = arith.constant 0 : i32
    %c0_i32_0 = arith.constant 0 : i32
    %c0_i32_1 = arith.constant 0 : i32
    return %c0_i32, %c0_i32_0 : i32, i32
  }
  func.func @transform_8(%arg0: i32, %arg1: i32) -> (i32, i32, i32, i32) {
    %c0_i32 = arith.constant 0 : i32
    %c0_i32_0 = arith.constant 0 : i32
    %c0_i32_1 = arith.constant 0 : i32
    return %arg0, %arg1, %c0_i32, %c0_i32_0 : i32, i32, i32, i32
  }
  func.func @transform_9(%arg0: i32, %arg1: i32) -> (i32, i32, i32) {
    %c0_i32 = arith.constant 0 : i32
    %c0_i32_0 = arith.constant 0 : i32
    return %arg0, %arg1, %c0_i32 : i32, i32, i32
  }
}

module attributes {stable_mosaic.version = 14 : i64} {
  func.func @_mlp_stage_body(%arg0: i32, %arg1: i32, %arg2: memref<1x128x32x131xf32, #tpu.memory_space<vmem>>, %arg3: memref<1x131xf32, #tpu.memory_space<vmem>>, %arg4: memref<1x131xf32, #tpu.memory_space<vmem>>, %arg5: memref<1x131xf32, #tpu.memory_space<vmem>>, %arg6: memref<1x131xf32, #tpu.memory_space<vmem>>, %arg7: memref<1x131xf32, #tpu.memory_space<vmem>>, %arg8: memref<128x131xf32, #tpu.memory_space<vmem>>, %arg9: memref<1x128xf32, #tpu.memory_space<vmem>>, %arg10: memref<1x128x32x128xf32, #tpu.memory_space<vmem>>) attributes {dimension_semantics = [#tpu.dimension_semantics<arbitrary>, #tpu.dimension_semantics<arbitrary>], iteration_bounds = array<i64: 2, 8>, scalar_prefetch = 0 : i64, scratch_operands = 0 : i64, tpu.core_type = #tpu.core_type<tc>, window_params = [{transform_indices = @transform_0, window_bounds = array<i64: 1, 128, 32, 131>}, {pipeline_mode = #tpu.pipeline_mode<synchronous>, transform_indices = @transform_1, window_bounds = array<i64: 1, 131>}, {pipeline_mode = #tpu.pipeline_mode<synchronous>, transform_indices = @transform_2, window_bounds = array<i64: 1, 131>}, {pipeline_mode = #tpu.pipeline_mode<synchronous>, transform_indices = @transform_3, window_bounds = array<i64: 1, 131>}, {pipeline_mode = #tpu.pipeline_mode<synchronous>, transform_indices = @transform_4, window_bounds = array<i64: 1, 131>}, {pipeline_mode = #tpu.pipeline_mode<synchronous>, transform_indices = @transform_5, window_bounds = array<i64: 1, 131>}, {pipeline_mode = #tpu.pipeline_mode<synchronous>, transform_indices = @transform_6, window_bounds = array<i64: 128, 131>}, {pipeline_mode = #tpu.pipeline_mode<synchronous>, transform_indices = @transform_7, window_bounds = array<i64: 1, 128>}, {transform_indices = @transform_8, window_bounds = array<i64: 1, 128, 32, 128>}]} {
    %get3A = arith.constant 0 : index
    %get3A_0 = arith.constant 0 : index
    %get3A_1 = arith.constant 0 : index
    %get3A_2 = arith.constant 0 : index
    %get3A_3 = vector.load %arg2[%get3A, %get3A_0, %get3A_1, %get3A_2] : memref<1x128x32x131xf32, #tpu.memory_space<vmem>>, vector<1x128x32x131xf32>
    %get3A_4 = vector.shape_cast %get3A_3 : vector<1x128x32x131xf32> to vector<128x32x131xf32>
    %reshape3A = vector.shape_cast %get3A_4 : vector<128x32x131xf32> to vector<4096x131xf32>
    %get3A_5 = arith.constant 0 : index
    %get3A_6 = arith.constant 0 : index
    %get3A_7 = vector.load %arg3[%get3A_5, %get3A_6] : memref<1x131xf32, #tpu.memory_space<vmem>>, vector<1x131xf32>
    %get3A_8 = vector.shape_cast %get3A_7 : vector<1x131xf32> to vector<131xf32>
    %broadcast_in_dim3A = vector.shape_cast %get3A_8 : vector<131xf32> to vector<1x131xf32>
    %get3A_9 = arith.constant 0 : index
    %get3A_10 = arith.constant 0 : index
    %get3A_11 = vector.load %arg4[%get3A_9, %get3A_10] : memref<1x131xf32, #tpu.memory_space<vmem>>, vector<1x131xf32>
    %get3A_12 = vector.shape_cast %get3A_11 : vector<1x131xf32> to vector<131xf32>
    %broadcast_in_dim3A_13 = vector.shape_cast %get3A_12 : vector<131xf32> to vector<1x131xf32>
    %get3A_14 = arith.constant 0 : index
    %get3A_15 = arith.constant 0 : index
    %get3A_16 = vector.load %arg5[%get3A_14, %get3A_15] : memref<1x131xf32, #tpu.memory_space<vmem>>, vector<1x131xf32>
    %get3A_17 = vector.shape_cast %get3A_16 : vector<1x131xf32> to vector<131xf32>
    %broadcast_in_dim3A_18 = vector.shape_cast %get3A_17 : vector<131xf32> to vector<1x131xf32>
    %get3A_19 = arith.constant 0 : index
    %get3A_20 = arith.constant 0 : index
    %get3A_21 = vector.load %arg6[%get3A_19, %get3A_20] : memref<1x131xf32, #tpu.memory_space<vmem>>, vector<1x131xf32>
    %get3A_22 = vector.shape_cast %get3A_21 : vector<1x131xf32> to vector<131xf32>
    %broadcast_in_dim3A_23 = vector.shape_cast %get3A_22 : vector<131xf32> to vector<1x131xf32>
    %get3A_24 = arith.constant 0 : index
    %get3A_25 = arith.constant 0 : index
    %get3A_26 = vector.load %arg7[%get3A_24, %get3A_25] : memref<1x131xf32, #tpu.memory_space<vmem>>, vector<1x131xf32>
    %get3A_27 = vector.shape_cast %get3A_26 : vector<1x131xf32> to vector<131xf32>
    %broadcast_in_dim3A_28 = vector.shape_cast %get3A_27 : vector<131xf32> to vector<1x131xf32>
    %sub3A = vector.broadcast %broadcast_in_dim3A : vector<1x131xf32> to vector<4096x131xf32>
    %sub3A_29 = arith.subf %reshape3A, %sub3A : vector<4096x131xf32>
    %div3A = vector.broadcast %broadcast_in_dim3A_13 : vector<1x131xf32> to vector<4096x131xf32>
    %div3A_30 = arith.divf %sub3A_29, %div3A : vector<4096x131xf32>
    %mul3A = vector.broadcast %broadcast_in_dim3A_18 : vector<1x131xf32> to vector<4096x131xf32>
    %mul3A_31 = arith.mulf %div3A_30, %mul3A : vector<4096x131xf32>
    %add3A = vector.broadcast %broadcast_in_dim3A_23 : vector<1x131xf32> to vector<4096x131xf32>
    %add3A_32 = arith.addf %mul3A_31, %add3A : vector<4096x131xf32>
    %max3A = vector.broadcast %broadcast_in_dim3A_28 : vector<1x131xf32> to vector<4096x131xf32>
    %max3A_33 = arith.maximumf %add3A_32, %max3A : vector<4096x131xf32>
    %get3A_34 = arith.constant 0 : index
    %get3A_35 = arith.constant 0 : index
    %get3A_36 = vector.load %arg8[%get3A_34, %get3A_35] : memref<128x131xf32, #tpu.memory_space<vmem>>, vector<128x131xf32>
    %dot_general3A = arith.constant dense<0.000000e+00> : vector<4096x128xf32>
    %dot_general3A_37 = tpu.matmul %max3A_33, %get3A_36, %dot_general3A {dimension_numbers = #tpu.dot_dimension_numbers<[1], [1], [0], [0], [0, 0, 1, 0], [], []>, transpose_lhs_hint = false} : vector<4096x131xf32>, vector<128x131xf32>, vector<4096x128xf32> -> vector<4096x128xf32>
    %get3A_38 = arith.constant 0 : index
    %get3A_39 = arith.constant 0 : index
    %get3A_40 = vector.load %arg9[%get3A_38, %get3A_39] : memref<1x128xf32, #tpu.memory_space<vmem>>, vector<1x128xf32>
    %get3A_41 = vector.shape_cast %get3A_40 : vector<1x128xf32> to vector<128xf32>
    %broadcast_in_dim3A_42 = vector.shape_cast %get3A_41 : vector<128xf32> to vector<1x128xf32>
    %add3A_43 = vector.broadcast %broadcast_in_dim3A_42 : vector<1x128xf32> to vector<4096x128xf32>
    %add3A_44 = arith.addf %dot_general3A_37, %add3A_43 : vector<4096x128xf32>
    %reshape3A_45 = vector.shape_cast %add3A_44 : vector<4096x128xf32> to vector<128x32x128xf32>
    %swap3A = arith.constant 0 : index
    %swap3A_46 = arith.constant 0 : index
    %swap3A_47 = arith.constant 0 : index
    %swap3A_48 = arith.constant 0 : index
    %swap3A_49 = vector.load %arg10[%swap3A, %swap3A_46, %swap3A_47, %swap3A_48] : memref<1x128x32x128xf32, #tpu.memory_space<vmem>>, vector<1x128x32x128xf32>
    %swap3A_50 = vector.shape_cast %swap3A_49 : vector<1x128x32x128xf32> to vector<128x32x128xf32>
    %swap3A_51 = vector.shape_cast %reshape3A_45 : vector<128x32x128xf32> to vector<1x128x32x128xf32>
    tpu.vector_store %arg10[%swap3A, %swap3A_46, %swap3A_47, %swap3A_48], %swap3A_51 {strides = array<i32>} : memref<1x128x32x128xf32, #tpu.memory_space<vmem>>, vector<1x128x32x128xf32>,
    return
  }
  func.func @transform_0(%arg0: i32, %arg1: i32) -> (i32, i32, i32, i32) {
    %c0_i32 = arith.constant 0 : i32
    %c0_i32_0 = arith.constant 0 : i32
    %c0_i32_1 = arith.constant 0 : i32
    return %arg0, %arg1, %c0_i32, %c0_i32_0 : i32, i32, i32, i32
  }
  func.func @transform_1(%arg0: i32, %arg1: i32) -> (i32, i32) {
    %c0_i32 = arith.constant 0 : i32
    %c0_i32_0 = arith.constant 0 : i32
    %c0_i32_1 = arith.constant 0 : i32
    return %c0_i32, %c0_i32_0 : i32, i32
  }
  func.func @transform_2(%arg0: i32, %arg1: i32) -> (i32, i32) {
    %c0_i32 = arith.constant 0 : i32
    %c0_i32_0 = arith.constant 0 : i32
    %c0_i32_1 = arith.constant 0 : i32
    return %c0_i32, %c0_i32_0 : i32, i32
  }
  func.func @transform_3(%arg0: i32, %arg1: i32) -> (i32, i32) {
    %c0_i32 = arith.constant 0 : i32
    %c0_i32_0 = arith.constant 0 : i32
    %c0_i32_1 = arith.constant 0 : i32
    return %c0_i32, %c0_i32_0 : i32, i32
  }
  func.func @transform_4(%arg0: i32, %arg1: i32) -> (i32, i32) {
    %c0_i32 = arith.constant 0 : i32
    %c0_i32_0 = arith.constant 0 : i32
    %c0_i32_1 = arith.constant 0 : i32
    return %c0_i32, %c0_i32_0 : i32, i32
  }
  func.func @transform_5(%arg0: i32, %arg1: i32) -> (i32, i32) {
    %c0_i32 = arith.constant 0 : i32
    %c0_i32_0 = arith.constant 0 : i32
    %c0_i32_1 = arith.constant 0 : i32
    return %c0_i32, %c0_i32_0 : i32, i32
  }
  func.func @transform_6(%arg0: i32, %arg1: i32) -> (i32, i32) {
    %c0_i32 = arith.constant 0 : i32
    %c0_i32_0 = arith.constant 0 : i32
    %c0_i32_1 = arith.constant 0 : i32
    return %c0_i32, %c0_i32_0 : i32, i32
  }
  func.func @transform_7(%arg0: i32, %arg1: i32) -> (i32, i32) {
    %c0_i32 = arith.constant 0 : i32
    %c0_i32_0 = arith.constant 0 : i32
    %c0_i32_1 = arith.constant 0 : i32
    return %c0_i32, %c0_i32_0 : i32, i32
  }
  func.func @transform_8(%arg0: i32, %arg1: i32) -> (i32, i32, i32, i32) {
    %c0_i32 = arith.constant 0 : i32
    %c0_i32_0 = arith.constant 0 : i32
    %c0_i32_1 = arith.constant 0 : i32
    return %arg0, %arg1, %c0_i32, %c0_i32_0 : i32, i32, i32, i32
  }
}

module attributes {stable_mosaic.version = 14 : i64} {
  func.func @_mlp_stage_body(%arg0: i32, %arg1: i32, %arg2: memref<1x128x32x128xf32, #tpu.memory_space<vmem>>, %arg3: memref<1x128xf32, #tpu.memory_space<vmem>>, %arg4: memref<1x128xf32, #tpu.memory_space<vmem>>, %arg5: memref<1x128xf32, #tpu.memory_space<vmem>>, %arg6: memref<1x128xf32, #tpu.memory_space<vmem>>, %arg7: memref<1x128xf32, #tpu.memory_space<vmem>>, %arg8: memref<128x128xf32, #tpu.memory_space<vmem>>, %arg9: memref<1x128xf32, #tpu.memory_space<vmem>>, %arg10: memref<1x128x32x128xf32, #tpu.memory_space<vmem>>) attributes {dimension_semantics = [#tpu.dimension_semantics<arbitrary>, #tpu.dimension_semantics<arbitrary>], iteration_bounds = array<i64: 2, 8>, scalar_prefetch = 0 : i64, scratch_operands = 0 : i64, tpu.core_type = #tpu.core_type<tc>, window_params = [{transform_indices = @transform_0, window_bounds = array<i64: 1, 128, 32, 128>}, {pipeline_mode = #tpu.pipeline_mode<synchronous>, transform_indices = @transform_1, window_bounds = array<i64: 1, 128>}, {pipeline_mode = #tpu.pipeline_mode<synchronous>, transform_indices = @transform_2, window_bounds = array<i64: 1, 128>}, {pipeline_mode = #tpu.pipeline_mode<synchronous>, transform_indices = @transform_3, window_bounds = array<i64: 1, 128>}, {pipeline_mode = #tpu.pipeline_mode<synchronous>, transform_indices = @transform_4, window_bounds = array<i64: 1, 128>}, {pipeline_mode = #tpu.pipeline_mode<synchronous>, transform_indices = @transform_5, window_bounds = array<i64: 1, 128>}, {pipeline_mode = #tpu.pipeline_mode<synchronous>, transform_indices = @transform_6, window_bounds = array<i64: 128, 128>}, {pipeline_mode = #tpu.pipeline_mode<synchronous>, transform_indices = @transform_7, window_bounds = array<i64: 1, 128>}, {transform_indices = @transform_8, window_bounds = array<i64: 1, 128, 32, 128>}]} {
    %get3A = arith.constant 0 : index
    %get3A_0 = arith.constant 0 : index
    %get3A_1 = arith.constant 0 : index
    %get3A_2 = arith.constant 0 : index
    %get3A_3 = vector.load %arg2[%get3A, %get3A_0, %get3A_1, %get3A_2] : memref<1x128x32x128xf32, #tpu.memory_space<vmem>>, vector<1x128x32x128xf32>
    %get3A_4 = vector.shape_cast %get3A_3 : vector<1x128x32x128xf32> to vector<128x32x128xf32>
    %reshape3A = vector.shape_cast %get3A_4 : vector<128x32x128xf32> to vector<4096x128xf32>
    %get3A_5 = arith.constant 0 : index
    %get3A_6 = arith.constant 0 : index
    %get3A_7 = vector.load %arg3[%get3A_5, %get3A_6] : memref<1x128xf32, #tpu.memory_space<vmem>>, vector<1x128xf32>
    %get3A_8 = vector.shape_cast %get3A_7 : vector<1x128xf32> to vector<128xf32>
    %broadcast_in_dim3A = vector.shape_cast %get3A_8 : vector<128xf32> to vector<1x128xf32>
    %get3A_9 = arith.constant 0 : index
    %get3A_10 = arith.constant 0 : index
    %get3A_11 = vector.load %arg4[%get3A_9, %get3A_10] : memref<1x128xf32, #tpu.memory_space<vmem>>, vector<1x128xf32>
    %get3A_12 = vector.shape_cast %get3A_11 : vector<1x128xf32> to vector<128xf32>
    %broadcast_in_dim3A_13 = vector.shape_cast %get3A_12 : vector<128xf32> to vector<1x128xf32>
    %get3A_14 = arith.constant 0 : index
    %get3A_15 = arith.constant 0 : index
    %get3A_16 = vector.load %arg5[%get3A_14, %get3A_15] : memref<1x128xf32, #tpu.memory_space<vmem>>, vector<1x128xf32>
    %get3A_17 = vector.shape_cast %get3A_16 : vector<1x128xf32> to vector<128xf32>
    %broadcast_in_dim3A_18 = vector.shape_cast %get3A_17 : vector<128xf32> to vector<1x128xf32>
    %get3A_19 = arith.constant 0 : index
    %get3A_20 = arith.constant 0 : index
    %get3A_21 = vector.load %arg6[%get3A_19, %get3A_20] : memref<1x128xf32, #tpu.memory_space<vmem>>, vector<1x128xf32>
    %get3A_22 = vector.shape_cast %get3A_21 : vector<1x128xf32> to vector<128xf32>
    %broadcast_in_dim3A_23 = vector.shape_cast %get3A_22 : vector<128xf32> to vector<1x128xf32>
    %get3A_24 = arith.constant 0 : index
    %get3A_25 = arith.constant 0 : index
    %get3A_26 = vector.load %arg7[%get3A_24, %get3A_25] : memref<1x128xf32, #tpu.memory_space<vmem>>, vector<1x128xf32>
    %get3A_27 = vector.shape_cast %get3A_26 : vector<1x128xf32> to vector<128xf32>
    %broadcast_in_dim3A_28 = vector.shape_cast %get3A_27 : vector<128xf32> to vector<1x128xf32>
    %sub3A = vector.broadcast %broadcast_in_dim3A : vector<1x128xf32> to vector<4096x128xf32>
    %sub3A_29 = arith.subf %reshape3A, %sub3A : vector<4096x128xf32>
    %div3A = vector.broadcast %broadcast_in_dim3A_13 : vector<1x128xf32> to vector<4096x128xf32>
    %div3A_30 = arith.divf %sub3A_29, %div3A : vector<4096x128xf32>
    %mul3A = vector.broadcast %broadcast_in_dim3A_18 : vector<1x128xf32> to vector<4096x128xf32>
    %mul3A_31 = arith.mulf %div3A_30, %mul3A : vector<4096x128xf32>
    %add3A = vector.broadcast %broadcast_in_dim3A_23 : vector<1x128xf32> to vector<4096x128xf32>
    %add3A_32 = arith.addf %mul3A_31, %add3A : vector<4096x128xf32>
    %max3A = vector.broadcast %broadcast_in_dim3A_28 : vector<1x128xf32> to vector<4096x128xf32>
    %max3A_33 = arith.maximumf %add3A_32, %max3A : vector<4096x128xf32>
    %get3A_34 = arith.constant 0 : index
    %get3A_35 = arith.constant 0 : index
    %get3A_36 = vector.load %arg8[%get3A_34, %get3A_35] : memref<128x128xf32, #tpu.memory_space<vmem>>, vector<128x128xf32>
    %dot_general3A = arith.constant dense<0.000000e+00> : vector<4096x128xf32>
    %dot_general3A_37 = tpu.matmul %max3A_33, %get3A_36, %dot_general3A {dimension_numbers = #tpu.dot_dimension_numbers<[1], [1], [0], [0], [0, 0, 1, 0], [], []>, transpose_lhs_hint = false} : vector<4096x128xf32>, vector<128x128xf32>, vector<4096x128xf32> -> vector<4096x128xf32>
    %get3A_38 = arith.constant 0 : index
    %get3A_39 = arith.constant 0 : index
    %get3A_40 = vector.load %arg9[%get3A_38, %get3A_39] : memref<1x128xf32, #tpu.memory_space<vmem>>, vector<1x128xf32>
    %get3A_41 = vector.shape_cast %get3A_40 : vector<1x128xf32> to vector<128xf32>
    %broadcast_in_dim3A_42 = vector.shape_cast %get3A_41 : vector<128xf32> to vector<1x128xf32>
    %add3A_43 = vector.broadcast %broadcast_in_dim3A_42 : vector<1x128xf32> to vector<4096x128xf32>
    %add3A_44 = arith.addf %dot_general3A_37, %add3A_43 : vector<4096x128xf32>
    %reshape3A_45 = vector.shape_cast %add3A_44 : vector<4096x128xf32> to vector<128x32x128xf32>
    %swap3A = arith.constant 0 : index
    %swap3A_46 = arith.constant 0 : index
    %swap3A_47 = arith.constant 0 : index
    %swap3A_48 = arith.constant 0 : index
    %swap3A_49 = vector.load %arg10[%swap3A, %swap3A_46, %swap3A_47, %swap3A_48] : memref<1x128x32x128xf32, #tpu.memory_space<vmem>>, vector<1x128x32x128xf32>
    %swap3A_50 = vector.shape_cast %swap3A_49 : vector<1x128x32x128xf32> to vector<128x32x128xf32>
    %swap3A_51 = vector.shape_cast %reshape3A_45 : vector<128x32x128xf32> to vector<1x128x32x128xf32>
    tpu.vector_store %arg10[%swap3A, %swap3A_46, %swap3A_47, %swap3A_48], %swap3A_51 {strides = array<i32>} : memref<1x128x32x128xf32, #tpu.memory_space<vmem>>, vector<1x128x32x128xf32>,
    return
  }
  func.func @transform_0(%arg0: i32, %arg1: i32) -> (i32, i32, i32, i32) {
    %c0_i32 = arith.constant 0 : i32
    %c0_i32_0 = arith.constant 0 : i32
    %c0_i32_1 = arith.constant 0 : i32
    return %arg0, %arg1, %c0_i32, %c0_i32_0 : i32, i32, i32, i32
  }
  func.func @transform_1(%arg0: i32, %arg1: i32) -> (i32, i32) {
    %c0_i32 = arith.constant 0 : i32
    %c0_i32_0 = arith.constant 0 : i32
    %c0_i32_1 = arith.constant 0 : i32
    return %c0_i32, %c0_i32_0 : i32, i32
  }
  func.func @transform_2(%arg0: i32, %arg1: i32) -> (i32, i32) {
    %c0_i32 = arith.constant 0 : i32
    %c0_i32_0 = arith.constant 0 : i32
    %c0_i32_1 = arith.constant 0 : i32
    return %c0_i32, %c0_i32_0 : i32, i32
  }
  func.func @transform_3(%arg0: i32, %arg1: i32) -> (i32, i32) {
    %c0_i32 = arith.constant 0 : i32
    %c0_i32_0 = arith.constant 0 : i32
    %c0_i32_1 = arith.constant 0 : i32
    return %c0_i32, %c0_i32_0 : i32, i32
  }
  func.func @transform_4(%arg0: i32, %arg1: i32) -> (i32, i32) {
    %c0_i32 = arith.constant 0 : i32
    %c0_i32_0 = arith.constant 0 : i32
    %c0_i32_1 = arith.constant 0 : i32
    return %c0_i32, %c0_i32_0 : i32, i32
  }
  func.func @transform_5(%arg0: i32, %arg1: i32) -> (i32, i32) {
    %c0_i32 = arith.constant 0 : i32
    %c0_i32_0 = arith.constant 0 : i32
    %c0_i32_1 = arith.constant 0 : i32
    return %c0_i32, %c0_i32_0 : i32, i32
  }
  func.func @transform_6(%arg0: i32, %arg1: i32) -> (i32, i32) {
    %c0_i32 = arith.constant 0 : i32
    %c0_i32_0 = arith.constant 0 : i32
    %c0_i32_1 = arith.constant 0 : i32
    return %c0_i32, %c0_i32_0 : i32, i32
  }
  func.func @transform_7(%arg0: i32, %arg1: i32) -> (i32, i32) {
    %c0_i32 = arith.constant 0 : i32
    %c0_i32_0 = arith.constant 0 : i32
    %c0_i32_1 = arith.constant 0 : i32
    return %c0_i32, %c0_i32_0 : i32, i32
  }
  func.func @transform_8(%arg0: i32, %arg1: i32) -> (i32, i32, i32, i32) {
    %c0_i32 = arith.constant 0 : i32
    %c0_i32_0 = arith.constant 0 : i32
    %c0_i32_1 = arith.constant 0 : i32
    return %arg0, %arg1, %c0_i32, %c0_i32_0 : i32, i32, i32, i32
  }
}

module attributes {stable_mosaic.version = 14 : i64} {
  func.func @_mlp_stage_body(%arg0: i32, %arg1: i32, %arg2: memref<1x128x32x128xf32, #tpu.memory_space<vmem>>, %arg3: memref<1x128xf32, #tpu.memory_space<vmem>>, %arg4: memref<1x128xf32, #tpu.memory_space<vmem>>, %arg5: memref<1x128xf32, #tpu.memory_space<vmem>>, %arg6: memref<1x128xf32, #tpu.memory_space<vmem>>, %arg7: memref<1x128xf32, #tpu.memory_space<vmem>>, %arg8: memref<256x128xf32, #tpu.memory_space<vmem>>, %arg9: memref<1x256xf32, #tpu.memory_space<vmem>>, %arg10: memref<1x128x32x256xf32, #tpu.memory_space<vmem>>, %arg11: memref<1x128x256xf32, #tpu.memory_space<vmem>>) attributes {dimension_semantics = [#tpu.dimension_semantics<arbitrary>, #tpu.dimension_semantics<arbitrary>], iteration_bounds = array<i64: 2, 8>, scalar_prefetch = 0 : i64, scratch_operands = 0 : i64, tpu.core_type = #tpu.core_type<tc>, window_params = [{transform_indices = @transform_0, window_bounds = array<i64: 1, 128, 32, 128>}, {pipeline_mode = #tpu.pipeline_mode<synchronous>, transform_indices = @transform_1, window_bounds = array<i64: 1, 128>}, {pipeline_mode = #tpu.pipeline_mode<synchronous>, transform_indices = @transform_2, window_bounds = array<i64: 1, 128>}, {pipeline_mode = #tpu.pipeline_mode<synchronous>, transform_indices = @transform_3, window_bounds = array<i64: 1, 128>}, {pipeline_mode = #tpu.pipeline_mode<synchronous>, transform_indices = @transform_4, window_bounds = array<i64: 1, 128>}, {pipeline_mode = #tpu.pipeline_mode<synchronous>, transform_indices = @transform_5, window_bounds = array<i64: 1, 128>}, {pipeline_mode = #tpu.pipeline_mode<synchronous>, transform_indices = @transform_6, window_bounds = array<i64: 256, 128>}, {pipeline_mode = #tpu.pipeline_mode<synchronous>, transform_indices = @transform_7, window_bounds = array<i64: 1, 256>}, {transform_indices = @transform_8, window_bounds = array<i64: 1, 128, 32, 256>}, {transform_indices = @transform_9, window_bounds = array<i64: 1, 128, 256>}]} {
    %get3A = arith.constant 0 : index
    %get3A_0 = arith.constant 0 : index
    %get3A_1 = arith.constant 0 : index
    %get3A_2 = arith.constant 0 : index
    %get3A_3 = vector.load %arg2[%get3A, %get3A_0, %get3A_1, %get3A_2] : memref<1x128x32x128xf32, #tpu.memory_space<vmem>>, vector<1x128x32x128xf32>
    %get3A_4 = vector.shape_cast %get3A_3 : vector<1x128x32x128xf32> to vector<128x32x128xf32>
    %reshape3A = vector.shape_cast %get3A_4 : vector<128x32x128xf32> to vector<4096x128xf32>
    %get3A_5 = arith.constant 0 : index
    %get3A_6 = arith.constant 0 : index
    %get3A_7 = vector.load %arg3[%get3A_5, %get3A_6] : memref<1x128xf32, #tpu.memory_space<vmem>>, vector<1x128xf32>
    %get3A_8 = vector.shape_cast %get3A_7 : vector<1x128xf32> to vector<128xf32>
    %broadcast_in_dim3A = vector.shape_cast %get3A_8 : vector<128xf32> to vector<1x128xf32>
    %get3A_9 = arith.constant 0 : index
    %get3A_10 = arith.constant 0 : index
    %get3A_11 = vector.load %arg4[%get3A_9, %get3A_10] : memref<1x128xf32, #tpu.memory_space<vmem>>, vector<1x128xf32>
    %get3A_12 = vector.shape_cast %get3A_11 : vector<1x128xf32> to vector<128xf32>
    %broadcast_in_dim3A_13 = vector.shape_cast %get3A_12 : vector<128xf32> to vector<1x128xf32>
    %get3A_14 = arith.constant 0 : index
    %get3A_15 = arith.constant 0 : index
    %get3A_16 = vector.load %arg5[%get3A_14, %get3A_15] : memref<1x128xf32, #tpu.memory_space<vmem>>, vector<1x128xf32>
    %get3A_17 = vector.shape_cast %get3A_16 : vector<1x128xf32> to vector<128xf32>
    %broadcast_in_dim3A_18 = vector.shape_cast %get3A_17 : vector<128xf32> to vector<1x128xf32>
    %get3A_19 = arith.constant 0 : index
    %get3A_20 = arith.constant 0 : index
    %get3A_21 = vector.load %arg6[%get3A_19, %get3A_20] : memref<1x128xf32, #tpu.memory_space<vmem>>, vector<1x128xf32>
    %get3A_22 = vector.shape_cast %get3A_21 : vector<1x128xf32> to vector<128xf32>
    %broadcast_in_dim3A_23 = vector.shape_cast %get3A_22 : vector<128xf32> to vector<1x128xf32>
    %get3A_24 = arith.constant 0 : index
    %get3A_25 = arith.constant 0 : index
    %get3A_26 = vector.load %arg7[%get3A_24, %get3A_25] : memref<1x128xf32, #tpu.memory_space<vmem>>, vector<1x128xf32>
    %get3A_27 = vector.shape_cast %get3A_26 : vector<1x128xf32> to vector<128xf32>
    %broadcast_in_dim3A_28 = vector.shape_cast %get3A_27 : vector<128xf32> to vector<1x128xf32>
    %sub3A = vector.broadcast %broadcast_in_dim3A : vector<1x128xf32> to vector<4096x128xf32>
    %sub3A_29 = arith.subf %reshape3A, %sub3A : vector<4096x128xf32>
    %div3A = vector.broadcast %broadcast_in_dim3A_13 : vector<1x128xf32> to vector<4096x128xf32>
    %div3A_30 = arith.divf %sub3A_29, %div3A : vector<4096x128xf32>
    %mul3A = vector.broadcast %broadcast_in_dim3A_18 : vector<1x128xf32> to vector<4096x128xf32>
    %mul3A_31 = arith.mulf %div3A_30, %mul3A : vector<4096x128xf32>
    %add3A = vector.broadcast %broadcast_in_dim3A_23 : vector<1x128xf32> to vector<4096x128xf32>
    %add3A_32 = arith.addf %mul3A_31, %add3A : vector<4096x128xf32>
    %max3A = vector.broadcast %broadcast_in_dim3A_28 : vector<1x128xf32> to vector<4096x128xf32>
    %max3A_33 = arith.maximumf %add3A_32, %max3A : vector<4096x128xf32>
    %get3A_34 = arith.constant 0 : index
    %get3A_35 = arith.constant 0 : index
    %get3A_36 = vector.load %arg8[%get3A_34, %get3A_35] : memref<256x128xf32, #tpu.memory_space<vmem>>, vector<256x128xf32>
    %dot_general3A = arith.constant dense<0.000000e+00> : vector<4096x256xf32>
    %dot_general3A_37 = tpu.matmul %max3A_33, %get3A_36, %dot_general3A {dimension_numbers = #tpu.dot_dimension_numbers<[1], [1], [0], [0], [0, 0, 1, 0], [], []>, transpose_lhs_hint = false} : vector<4096x128xf32>, vector<256x128xf32>, vector<4096x256xf32> -> vector<4096x256xf32>
    %get3A_38 = arith.constant 0 : index
    %get3A_39 = arith.constant 0 : index
    %get3A_40 = vector.load %arg9[%get3A_38, %get3A_39] : memref<1x256xf32, #tpu.memory_space<vmem>>, vector<1x256xf32>
    %get3A_41 = vector.shape_cast %get3A_40 : vector<1x256xf32> to vector<256xf32>
    %broadcast_in_dim3A_42 = vector.shape_cast %get3A_41 : vector<256xf32> to vector<1x256xf32>
    %add3A_43 = vector.broadcast %broadcast_in_dim3A_42 : vector<1x256xf32> to vector<4096x256xf32>
    %add3A_44 = arith.addf %dot_general3A_37, %add3A_43 : vector<4096x256xf32>
    %reshape3A_45 = vector.shape_cast %add3A_44 : vector<4096x256xf32> to vector<128x32x256xf32>
    %swap3A = arith.constant 0 : index
    %swap3A_46 = arith.constant 0 : index
    %swap3A_47 = arith.constant 0 : index
    %swap3A_48 = arith.constant 0 : index
    %swap3A_49 = vector.load %arg10[%swap3A, %swap3A_46, %swap3A_47, %swap3A_48] : memref<1x128x32x256xf32, #tpu.memory_space<vmem>>, vector<1x128x32x256xf32>
    %swap3A_50 = vector.shape_cast %swap3A_49 : vector<1x128x32x256xf32> to vector<128x32x256xf32>
    %swap3A_51 = vector.shape_cast %reshape3A_45 : vector<128x32x256xf32> to vector<1x128x32x256xf32>
    tpu.vector_store %arg10[%swap3A, %swap3A_46, %swap3A_47, %swap3A_48], %swap3A_51 {strides = array<i32>} : memref<1x128x32x256xf32, #tpu.memory_space<vmem>>, vector<1x128x32x256xf32>,
    %reduce_max3A = arith.constant dense<0xFF800000> : vector<128x256xf32>
    %reduce_max3A_52 = vector.multi_reduction <maximumf>, %reshape3A_45, %reduce_max3A [1] : vector<128x32x256xf32> to vector<128x256xf32>
    %swap3A_53 = arith.constant 0 : index
    %swap3A_54 = arith.constant 0 : index
    %swap3A_55 = arith.constant 0 : index
    %swap3A_56 = vector.load %arg11[%swap3A_53, %swap3A_54, %swap3A_55] : memref<1x128x256xf32, #tpu.memory_space<vmem>>, vector<1x128x256xf32>
    %swap3A_57 = vector.shape_cast %swap3A_56 : vector<1x128x256xf32> to vector<128x256xf32>
    %swap3A_58 = vector.shape_cast %reduce_max3A_52 : vector<128x256xf32> to vector<1x128x256xf32>
    tpu.vector_store %arg11[%swap3A_53, %swap3A_54, %swap3A_55], %swap3A_58 {strides = array<i32>} : memref<1x128x256xf32, #tpu.memory_space<vmem>>, vector<1x128x256xf32>,
    return
  }
  func.func @transform_0(%arg0: i32, %arg1: i32) -> (i32, i32, i32, i32) {
    %c0_i32 = arith.constant 0 : i32
    %c0_i32_0 = arith.constant 0 : i32
    %c0_i32_1 = arith.constant 0 : i32
    return %arg0, %arg1, %c0_i32, %c0_i32_0 : i32, i32, i32, i32
  }
  func.func @transform_1(%arg0: i32, %arg1: i32) -> (i32, i32) {
    %c0_i32 = arith.constant 0 : i32
    %c0_i32_0 = arith.constant 0 : i32
    %c0_i32_1 = arith.constant 0 : i32
    return %c0_i32, %c0_i32_0 : i32, i32
  }
  func.func @transform_2(%arg0: i32, %arg1: i32) -> (i32, i32) {
    %c0_i32 = arith.constant 0 : i32
    %c0_i32_0 = arith.constant 0 : i32
    %c0_i32_1 = arith.constant 0 : i32
    return %c0_i32, %c0_i32_0 : i32, i32
  }
  func.func @transform_3(%arg0: i32, %arg1: i32) -> (i32, i32) {
    %c0_i32 = arith.constant 0 : i32
    %c0_i32_0 = arith.constant 0 : i32
    %c0_i32_1 = arith.constant 0 : i32
    return %c0_i32, %c0_i32_0 : i32, i32
  }
  func.func @transform_4(%arg0: i32, %arg1: i32) -> (i32, i32) {
    %c0_i32 = arith.constant 0 : i32
    %c0_i32_0 = arith.constant 0 : i32
    %c0_i32_1 = arith.constant 0 : i32
    return %c0_i32, %c0_i32_0 : i32, i32
  }
  func.func @transform_5(%arg0: i32, %arg1: i32) -> (i32, i32) {
    %c0_i32 = arith.constant 0 : i32
    %c0_i32_0 = arith.constant 0 : i32
    %c0_i32_1 = arith.constant 0 : i32
    return %c0_i32, %c0_i32_0 : i32, i32
  }
  func.func @transform_6(%arg0: i32, %arg1: i32) -> (i32, i32) {
    %c0_i32 = arith.constant 0 : i32
    %c0_i32_0 = arith.constant 0 : i32
    %c0_i32_1 = arith.constant 0 : i32
    return %c0_i32, %c0_i32_0 : i32, i32
  }
  func.func @transform_7(%arg0: i32, %arg1: i32) -> (i32, i32) {
    %c0_i32 = arith.constant 0 : i32
    %c0_i32_0 = arith.constant 0 : i32
    %c0_i32_1 = arith.constant 0 : i32
    return %c0_i32, %c0_i32_0 : i32, i32
  }
  func.func @transform_8(%arg0: i32, %arg1: i32) -> (i32, i32, i32, i32) {
    %c0_i32 = arith.constant 0 : i32
    %c0_i32_0 = arith.constant 0 : i32
    %c0_i32_1 = arith.constant 0 : i32
    return %arg0, %arg1, %c0_i32, %c0_i32_0 : i32, i32, i32, i32
  }
  func.func @transform_9(%arg0: i32, %arg1: i32) -> (i32, i32, i32) {
    %c0_i32 = arith.constant 0 : i32
    %c0_i32_0 = arith.constant 0 : i32
    return %arg0, %arg1, %c0_i32 : i32, i32, i32
  }
}

module attributes {stable_mosaic.version = 14 : i64} {
  func.func @_mlp_stage_body(%arg0: i32, %arg1: i32, %arg2: memref<1x128x16x259xf32, #tpu.memory_space<vmem>>, %arg3: memref<1x259xf32, #tpu.memory_space<vmem>>, %arg4: memref<1x259xf32, #tpu.memory_space<vmem>>, %arg5: memref<1x259xf32, #tpu.memory_space<vmem>>, %arg6: memref<1x259xf32, #tpu.memory_space<vmem>>, %arg7: memref<1x259xf32, #tpu.memory_space<vmem>>, %arg8: memref<128x259xf32, #tpu.memory_space<vmem>>, %arg9: memref<1x128xf32, #tpu.memory_space<vmem>>, %arg10: memref<1x128x16x128xf32, #tpu.memory_space<vmem>>) attributes {dimension_semantics = [#tpu.dimension_semantics<arbitrary>, #tpu.dimension_semantics<arbitrary>], iteration_bounds = array<i64: 2, 4>, scalar_prefetch = 0 : i64, scratch_operands = 0 : i64, tpu.core_type = #tpu.core_type<tc>, window_params = [{transform_indices = @transform_0, window_bounds = array<i64: 1, 128, 16, 259>}, {pipeline_mode = #tpu.pipeline_mode<synchronous>, transform_indices = @transform_1, window_bounds = array<i64: 1, 259>}, {pipeline_mode = #tpu.pipeline_mode<synchronous>, transform_indices = @transform_2, window_bounds = array<i64: 1, 259>}, {pipeline_mode = #tpu.pipeline_mode<synchronous>, transform_indices = @transform_3, window_bounds = array<i64: 1, 259>}, {pipeline_mode = #tpu.pipeline_mode<synchronous>, transform_indices = @transform_4, window_bounds = array<i64: 1, 259>}, {pipeline_mode = #tpu.pipeline_mode<synchronous>, transform_indices = @transform_5, window_bounds = array<i64: 1, 259>}, {pipeline_mode = #tpu.pipeline_mode<synchronous>, transform_indices = @transform_6, window_bounds = array<i64: 128, 259>}, {pipeline_mode = #tpu.pipeline_mode<synchronous>, transform_indices = @transform_7, window_bounds = array<i64: 1, 128>}, {transform_indices = @transform_8, window_bounds = array<i64: 1, 128, 16, 128>}]} {
    %get3A = arith.constant 0 : index
    %get3A_0 = arith.constant 0 : index
    %get3A_1 = arith.constant 0 : index
    %get3A_2 = arith.constant 0 : index
    %get3A_3 = vector.load %arg2[%get3A, %get3A_0, %get3A_1, %get3A_2] : memref<1x128x16x259xf32, #tpu.memory_space<vmem>>, vector<1x128x16x259xf32>
    %get3A_4 = vector.shape_cast %get3A_3 : vector<1x128x16x259xf32> to vector<128x16x259xf32>
    %reshape3A = vector.shape_cast %get3A_4 : vector<128x16x259xf32> to vector<2048x259xf32>
    %get3A_5 = arith.constant 0 : index
    %get3A_6 = arith.constant 0 : index
    %get3A_7 = vector.load %arg3[%get3A_5, %get3A_6] : memref<1x259xf32, #tpu.memory_space<vmem>>, vector<1x259xf32>
    %get3A_8 = vector.shape_cast %get3A_7 : vector<1x259xf32> to vector<259xf32>
    %broadcast_in_dim3A = vector.shape_cast %get3A_8 : vector<259xf32> to vector<1x259xf32>
    %get3A_9 = arith.constant 0 : index
    %get3A_10 = arith.constant 0 : index
    %get3A_11 = vector.load %arg4[%get3A_9, %get3A_10] : memref<1x259xf32, #tpu.memory_space<vmem>>, vector<1x259xf32>
    %get3A_12 = vector.shape_cast %get3A_11 : vector<1x259xf32> to vector<259xf32>
    %broadcast_in_dim3A_13 = vector.shape_cast %get3A_12 : vector<259xf32> to vector<1x259xf32>
    %get3A_14 = arith.constant 0 : index
    %get3A_15 = arith.constant 0 : index
    %get3A_16 = vector.load %arg5[%get3A_14, %get3A_15] : memref<1x259xf32, #tpu.memory_space<vmem>>, vector<1x259xf32>
    %get3A_17 = vector.shape_cast %get3A_16 : vector<1x259xf32> to vector<259xf32>
    %broadcast_in_dim3A_18 = vector.shape_cast %get3A_17 : vector<259xf32> to vector<1x259xf32>
    %get3A_19 = arith.constant 0 : index
    %get3A_20 = arith.constant 0 : index
    %get3A_21 = vector.load %arg6[%get3A_19, %get3A_20] : memref<1x259xf32, #tpu.memory_space<vmem>>, vector<1x259xf32>
    %get3A_22 = vector.shape_cast %get3A_21 : vector<1x259xf32> to vector<259xf32>
    %broadcast_in_dim3A_23 = vector.shape_cast %get3A_22 : vector<259xf32> to vector<1x259xf32>
    %get3A_24 = arith.constant 0 : index
    %get3A_25 = arith.constant 0 : index
    %get3A_26 = vector.load %arg7[%get3A_24, %get3A_25] : memref<1x259xf32, #tpu.memory_space<vmem>>, vector<1x259xf32>
    %get3A_27 = vector.shape_cast %get3A_26 : vector<1x259xf32> to vector<259xf32>
    %broadcast_in_dim3A_28 = vector.shape_cast %get3A_27 : vector<259xf32> to vector<1x259xf32>
    %sub3A = vector.broadcast %broadcast_in_dim3A : vector<1x259xf32> to vector<2048x259xf32>
    %sub3A_29 = arith.subf %reshape3A, %sub3A : vector<2048x259xf32>
    %div3A = vector.broadcast %broadcast_in_dim3A_13 : vector<1x259xf32> to vector<2048x259xf32>
    %div3A_30 = arith.divf %sub3A_29, %div3A : vector<2048x259xf32>
    %mul3A = vector.broadcast %broadcast_in_dim3A_18 : vector<1x259xf32> to vector<2048x259xf32>
    %mul3A_31 = arith.mulf %div3A_30, %mul3A : vector<2048x259xf32>
    %add3A = vector.broadcast %broadcast_in_dim3A_23 : vector<1x259xf32> to vector<2048x259xf32>
    %add3A_32 = arith.addf %mul3A_31, %add3A : vector<2048x259xf32>
    %max3A = vector.broadcast %broadcast_in_dim3A_28 : vector<1x259xf32> to vector<2048x259xf32>
    %max3A_33 = arith.maximumf %add3A_32, %max3A : vector<2048x259xf32>
    %get3A_34 = arith.constant 0 : index
    %get3A_35 = arith.constant 0 : index
    %get3A_36 = vector.load %arg8[%get3A_34, %get3A_35] : memref<128x259xf32, #tpu.memory_space<vmem>>, vector<128x259xf32>
    %dot_general3A = arith.constant dense<0.000000e+00> : vector<2048x128xf32>
    %dot_general3A_37 = tpu.matmul %max3A_33, %get3A_36, %dot_general3A {dimension_numbers = #tpu.dot_dimension_numbers<[1], [1], [0], [0], [0, 0, 1, 0], [], []>, transpose_lhs_hint = false} : vector<2048x259xf32>, vector<128x259xf32>, vector<2048x128xf32> -> vector<2048x128xf32>
    %get3A_38 = arith.constant 0 : index
    %get3A_39 = arith.constant 0 : index
    %get3A_40 = vector.load %arg9[%get3A_38, %get3A_39] : memref<1x128xf32, #tpu.memory_space<vmem>>, vector<1x128xf32>
    %get3A_41 = vector.shape_cast %get3A_40 : vector<1x128xf32> to vector<128xf32>
    %broadcast_in_dim3A_42 = vector.shape_cast %get3A_41 : vector<128xf32> to vector<1x128xf32>
    %add3A_43 = vector.broadcast %broadcast_in_dim3A_42 : vector<1x128xf32> to vector<2048x128xf32>
    %add3A_44 = arith.addf %dot_general3A_37, %add3A_43 : vector<2048x128xf32>
    %reshape3A_45 = vector.shape_cast %add3A_44 : vector<2048x128xf32> to vector<128x16x128xf32>
    %swap3A = arith.constant 0 : index
    %swap3A_46 = arith.constant 0 : index
    %swap3A_47 = arith.constant 0 : index
    %swap3A_48 = arith.constant 0 : index
    %swap3A_49 = vector.load %arg10[%swap3A, %swap3A_46, %swap3A_47, %swap3A_48] : memref<1x128x16x128xf32, #tpu.memory_space<vmem>>, vector<1x128x16x128xf32>
    %swap3A_50 = vector.shape_cast %swap3A_49 : vector<1x128x16x128xf32> to vector<128x16x128xf32>
    %swap3A_51 = vector.shape_cast %reshape3A_45 : vector<128x16x128xf32> to vector<1x128x16x128xf32>
    tpu.vector_store %arg10[%swap3A, %swap3A_46, %swap3A_47, %swap3A_48], %swap3A_51 {strides = array<i32>} : memref<1x128x16x128xf32, #tpu.memory_space<vmem>>, vector<1x128x16x128xf32>,
    return
  }
  func.func @transform_0(%arg0: i32, %arg1: i32) -> (i32, i32, i32, i32) {
    %c0_i32 = arith.constant 0 : i32
    %c0_i32_0 = arith.constant 0 : i32
    %c0_i32_1 = arith.constant 0 : i32
    return %arg0, %arg1, %c0_i32, %c0_i32_0 : i32, i32, i32, i32
  }
  func.func @transform_1(%arg0: i32, %arg1: i32) -> (i32, i32) {
    %c0_i32 = arith.constant 0 : i32
    %c0_i32_0 = arith.constant 0 : i32
    %c0_i32_1 = arith.constant 0 : i32
    return %c0_i32, %c0_i32_0 : i32, i32
  }
  func.func @transform_2(%arg0: i32, %arg1: i32) -> (i32, i32) {
    %c0_i32 = arith.constant 0 : i32
    %c0_i32_0 = arith.constant 0 : i32
    %c0_i32_1 = arith.constant 0 : i32
    return %c0_i32, %c0_i32_0 : i32, i32
  }
  func.func @transform_3(%arg0: i32, %arg1: i32) -> (i32, i32) {
    %c0_i32 = arith.constant 0 : i32
    %c0_i32_0 = arith.constant 0 : i32
    %c0_i32_1 = arith.constant 0 : i32
    return %c0_i32, %c0_i32_0 : i32, i32
  }
  func.func @transform_4(%arg0: i32, %arg1: i32) -> (i32, i32) {
    %c0_i32 = arith.constant 0 : i32
    %c0_i32_0 = arith.constant 0 : i32
    %c0_i32_1 = arith.constant 0 : i32
    return %c0_i32, %c0_i32_0 : i32, i32
  }
  func.func @transform_5(%arg0: i32, %arg1: i32) -> (i32, i32) {
    %c0_i32 = arith.constant 0 : i32
    %c0_i32_0 = arith.constant 0 : i32
    %c0_i32_1 = arith.constant 0 : i32
    return %c0_i32, %c0_i32_0 : i32, i32
  }
  func.func @transform_6(%arg0: i32, %arg1: i32) -> (i32, i32) {
    %c0_i32 = arith.constant 0 : i32
    %c0_i32_0 = arith.constant 0 : i32
    %c0_i32_1 = arith.constant 0 : i32
    return %c0_i32, %c0_i32_0 : i32, i32
  }
  func.func @transform_7(%arg0: i32, %arg1: i32) -> (i32, i32) {
    %c0_i32 = arith.constant 0 : i32
    %c0_i32_0 = arith.constant 0 : i32
    %c0_i32_1 = arith.constant 0 : i32
    return %c0_i32, %c0_i32_0 : i32, i32
  }
  func.func @transform_8(%arg0: i32, %arg1: i32) -> (i32, i32, i32, i32) {
    %c0_i32 = arith.constant 0 : i32
    %c0_i32_0 = arith.constant 0 : i32
    %c0_i32_1 = arith.constant 0 : i32
    return %arg0, %arg1, %c0_i32, %c0_i32_0 : i32, i32, i32, i32
  }
}

module attributes {stable_mosaic.version = 14 : i64} {
  func.func @_mlp_stage_body(%arg0: i32, %arg1: i32, %arg2: memref<1x128x16x128xf32, #tpu.memory_space<vmem>>, %arg3: memref<1x128xf32, #tpu.memory_space<vmem>>, %arg4: memref<1x128xf32, #tpu.memory_space<vmem>>, %arg5: memref<1x128xf32, #tpu.memory_space<vmem>>, %arg6: memref<1x128xf32, #tpu.memory_space<vmem>>, %arg7: memref<1x128xf32, #tpu.memory_space<vmem>>, %arg8: memref<128x128xf32, #tpu.memory_space<vmem>>, %arg9: memref<1x128xf32, #tpu.memory_space<vmem>>, %arg10: memref<1x128x16x128xf32, #tpu.memory_space<vmem>>) attributes {dimension_semantics = [#tpu.dimension_semantics<arbitrary>, #tpu.dimension_semantics<arbitrary>], iteration_bounds = array<i64: 2, 4>, scalar_prefetch = 0 : i64, scratch_operands = 0 : i64, tpu.core_type = #tpu.core_type<tc>, window_params = [{transform_indices = @transform_0, window_bounds = array<i64: 1, 128, 16, 128>}, {pipeline_mode = #tpu.pipeline_mode<synchronous>, transform_indices = @transform_1, window_bounds = array<i64: 1, 128>}, {pipeline_mode = #tpu.pipeline_mode<synchronous>, transform_indices = @transform_2, window_bounds = array<i64: 1, 128>}, {pipeline_mode = #tpu.pipeline_mode<synchronous>, transform_indices = @transform_3, window_bounds = array<i64: 1, 128>}, {pipeline_mode = #tpu.pipeline_mode<synchronous>, transform_indices = @transform_4, window_bounds = array<i64: 1, 128>}, {pipeline_mode = #tpu.pipeline_mode<synchronous>, transform_indices = @transform_5, window_bounds = array<i64: 1, 128>}, {pipeline_mode = #tpu.pipeline_mode<synchronous>, transform_indices = @transform_6, window_bounds = array<i64: 128, 128>}, {pipeline_mode = #tpu.pipeline_mode<synchronous>, transform_indices = @transform_7, window_bounds = array<i64: 1, 128>}, {transform_indices = @transform_8, window_bounds = array<i64: 1, 128, 16, 128>}]} {
    %get3A = arith.constant 0 : index
    %get3A_0 = arith.constant 0 : index
    %get3A_1 = arith.constant 0 : index
    %get3A_2 = arith.constant 0 : index
    %get3A_3 = vector.load %arg2[%get3A, %get3A_0, %get3A_1, %get3A_2] : memref<1x128x16x128xf32, #tpu.memory_space<vmem>>, vector<1x128x16x128xf32>
    %get3A_4 = vector.shape_cast %get3A_3 : vector<1x128x16x128xf32> to vector<128x16x128xf32>
    %reshape3A = vector.shape_cast %get3A_4 : vector<128x16x128xf32> to vector<2048x128xf32>
    %get3A_5 = arith.constant 0 : index
    %get3A_6 = arith.constant 0 : index
    %get3A_7 = vector.load %arg3[%get3A_5, %get3A_6] : memref<1x128xf32, #tpu.memory_space<vmem>>, vector<1x128xf32>
    %get3A_8 = vector.shape_cast %get3A_7 : vector<1x128xf32> to vector<128xf32>
    %broadcast_in_dim3A = vector.shape_cast %get3A_8 : vector<128xf32> to vector<1x128xf32>
    %get3A_9 = arith.constant 0 : index
    %get3A_10 = arith.constant 0 : index
    %get3A_11 = vector.load %arg4[%get3A_9, %get3A_10] : memref<1x128xf32, #tpu.memory_space<vmem>>, vector<1x128xf32>
    %get3A_12 = vector.shape_cast %get3A_11 : vector<1x128xf32> to vector<128xf32>
    %broadcast_in_dim3A_13 = vector.shape_cast %get3A_12 : vector<128xf32> to vector<1x128xf32>
    %get3A_14 = arith.constant 0 : index
    %get3A_15 = arith.constant 0 : index
    %get3A_16 = vector.load %arg5[%get3A_14, %get3A_15] : memref<1x128xf32, #tpu.memory_space<vmem>>, vector<1x128xf32>
    %get3A_17 = vector.shape_cast %get3A_16 : vector<1x128xf32> to vector<128xf32>
    %broadcast_in_dim3A_18 = vector.shape_cast %get3A_17 : vector<128xf32> to vector<1x128xf32>
    %get3A_19 = arith.constant 0 : index
    %get3A_20 = arith.constant 0 : index
    %get3A_21 = vector.load %arg6[%get3A_19, %get3A_20] : memref<1x128xf32, #tpu.memory_space<vmem>>, vector<1x128xf32>
    %get3A_22 = vector.shape_cast %get3A_21 : vector<1x128xf32> to vector<128xf32>
    %broadcast_in_dim3A_23 = vector.shape_cast %get3A_22 : vector<128xf32> to vector<1x128xf32>
    %get3A_24 = arith.constant 0 : index
    %get3A_25 = arith.constant 0 : index
    %get3A_26 = vector.load %arg7[%get3A_24, %get3A_25] : memref<1x128xf32, #tpu.memory_space<vmem>>, vector<1x128xf32>
    %get3A_27 = vector.shape_cast %get3A_26 : vector<1x128xf32> to vector<128xf32>
    %broadcast_in_dim3A_28 = vector.shape_cast %get3A_27 : vector<128xf32> to vector<1x128xf32>
    %sub3A = vector.broadcast %broadcast_in_dim3A : vector<1x128xf32> to vector<2048x128xf32>
    %sub3A_29 = arith.subf %reshape3A, %sub3A : vector<2048x128xf32>
    %div3A = vector.broadcast %broadcast_in_dim3A_13 : vector<1x128xf32> to vector<2048x128xf32>
    %div3A_30 = arith.divf %sub3A_29, %div3A : vector<2048x128xf32>
    %mul3A = vector.broadcast %broadcast_in_dim3A_18 : vector<1x128xf32> to vector<2048x128xf32>
    %mul3A_31 = arith.mulf %div3A_30, %mul3A : vector<2048x128xf32>
    %add3A = vector.broadcast %broadcast_in_dim3A_23 : vector<1x128xf32> to vector<2048x128xf32>
    %add3A_32 = arith.addf %mul3A_31, %add3A : vector<2048x128xf32>
    %max3A = vector.broadcast %broadcast_in_dim3A_28 : vector<1x128xf32> to vector<2048x128xf32>
    %max3A_33 = arith.maximumf %add3A_32, %max3A : vector<2048x128xf32>
    %get3A_34 = arith.constant 0 : index
    %get3A_35 = arith.constant 0 : index
    %get3A_36 = vector.load %arg8[%get3A_34, %get3A_35] : memref<128x128xf32, #tpu.memory_space<vmem>>, vector<128x128xf32>
    %dot_general3A = arith.constant dense<0.000000e+00> : vector<2048x128xf32>
    %dot_general3A_37 = tpu.matmul %max3A_33, %get3A_36, %dot_general3A {dimension_numbers = #tpu.dot_dimension_numbers<[1], [1], [0], [0], [0, 0, 1, 0], [], []>, transpose_lhs_hint = false} : vector<2048x128xf32>, vector<128x128xf32>, vector<2048x128xf32> -> vector<2048x128xf32>
    %get3A_38 = arith.constant 0 : index
    %get3A_39 = arith.constant 0 : index
    %get3A_40 = vector.load %arg9[%get3A_38, %get3A_39] : memref<1x128xf32, #tpu.memory_space<vmem>>, vector<1x128xf32>
    %get3A_41 = vector.shape_cast %get3A_40 : vector<1x128xf32> to vector<128xf32>
    %broadcast_in_dim3A_42 = vector.shape_cast %get3A_41 : vector<128xf32> to vector<1x128xf32>
    %add3A_43 = vector.broadcast %broadcast_in_dim3A_42 : vector<1x128xf32> to vector<2048x128xf32>
    %add3A_44 = arith.addf %dot_general3A_37, %add3A_43 : vector<2048x128xf32>
    %reshape3A_45 = vector.shape_cast %add3A_44 : vector<2048x128xf32> to vector<128x16x128xf32>
    %swap3A = arith.constant 0 : index
    %swap3A_46 = arith.constant 0 : index
    %swap3A_47 = arith.constant 0 : index
    %swap3A_48 = arith.constant 0 : index
    %swap3A_49 = vector.load %arg10[%swap3A, %swap3A_46, %swap3A_47, %swap3A_48] : memref<1x128x16x128xf32, #tpu.memory_space<vmem>>, vector<1x128x16x128xf32>
    %swap3A_50 = vector.shape_cast %swap3A_49 : vector<1x128x16x128xf32> to vector<128x16x128xf32>
    %swap3A_51 = vector.shape_cast %reshape3A_45 : vector<128x16x128xf32> to vector<1x128x16x128xf32>
    tpu.vector_store %arg10[%swap3A, %swap3A_46, %swap3A_47, %swap3A_48], %swap3A_51 {strides = array<i32>} : memref<1x128x16x128xf32, #tpu.memory_space<vmem>>, vector<1x128x16x128xf32>,
    return
  }
  func.func @transform_0(%arg0: i32, %arg1: i32) -> (i32, i32, i32, i32) {
    %c0_i32 = arith.constant 0 : i32
    %c0_i32_0 = arith.constant 0 : i32
    %c0_i32_1 = arith.constant 0 : i32
    return %arg0, %arg1, %c0_i32, %c0_i32_0 : i32, i32, i32, i32
  }
  func.func @transform_1(%arg0: i32, %arg1: i32) -> (i32, i32) {
    %c0_i32 = arith.constant 0 : i32
    %c0_i32_0 = arith.constant 0 : i32
    %c0_i32_1 = arith.constant 0 : i32
    return %c0_i32, %c0_i32_0 : i32, i32
  }
  func.func @transform_2(%arg0: i32, %arg1: i32) -> (i32, i32) {
    %c0_i32 = arith.constant 0 : i32
    %c0_i32_0 = arith.constant 0 : i32
    %c0_i32_1 = arith.constant 0 : i32
    return %c0_i32, %c0_i32_0 : i32, i32
  }
  func.func @transform_3(%arg0: i32, %arg1: i32) -> (i32, i32) {
    %c0_i32 = arith.constant 0 : i32
    %c0_i32_0 = arith.constant 0 : i32
    %c0_i32_1 = arith.constant 0 : i32
    return %c0_i32, %c0_i32_0 : i32, i32
  }
  func.func @transform_4(%arg0: i32, %arg1: i32) -> (i32, i32) {
    %c0_i32 = arith.constant 0 : i32
    %c0_i32_0 = arith.constant 0 : i32
    %c0_i32_1 = arith.constant 0 : i32
    return %c0_i32, %c0_i32_0 : i32, i32
  }
  func.func @transform_5(%arg0: i32, %arg1: i32) -> (i32, i32) {
    %c0_i32 = arith.constant 0 : i32
    %c0_i32_0 = arith.constant 0 : i32
    %c0_i32_1 = arith.constant 0 : i32
    return %c0_i32, %c0_i32_0 : i32, i32
  }
  func.func @transform_6(%arg0: i32, %arg1: i32) -> (i32, i32) {
    %c0_i32 = arith.constant 0 : i32
    %c0_i32_0 = arith.constant 0 : i32
    %c0_i32_1 = arith.constant 0 : i32
    return %c0_i32, %c0_i32_0 : i32, i32
  }
  func.func @transform_7(%arg0: i32, %arg1: i32) -> (i32, i32) {
    %c0_i32 = arith.constant 0 : i32
    %c0_i32_0 = arith.constant 0 : i32
    %c0_i32_1 = arith.constant 0 : i32
    return %c0_i32, %c0_i32_0 : i32, i32
  }
  func.func @transform_8(%arg0: i32, %arg1: i32) -> (i32, i32, i32, i32) {
    %c0_i32 = arith.constant 0 : i32
    %c0_i32_0 = arith.constant 0 : i32
    %c0_i32_1 = arith.constant 0 : i32
    return %arg0, %arg1, %c0_i32, %c0_i32_0 : i32, i32, i32, i32
  }
}

module attributes {stable_mosaic.version = 14 : i64} {
  func.func @_mlp_stage_body(%arg0: i32, %arg1: i32, %arg2: memref<1x128x16x128xf32, #tpu.memory_space<vmem>>, %arg3: memref<1x128xf32, #tpu.memory_space<vmem>>, %arg4: memref<1x128xf32, #tpu.memory_space<vmem>>, %arg5: memref<1x128xf32, #tpu.memory_space<vmem>>, %arg6: memref<1x128xf32, #tpu.memory_space<vmem>>, %arg7: memref<1x128xf32, #tpu.memory_space<vmem>>, %arg8: memref<256x128xf32, #tpu.memory_space<vmem>>, %arg9: memref<1x256xf32, #tpu.memory_space<vmem>>, %arg10: memref<1x128x16x256xf32, #tpu.memory_space<vmem>>, %arg11: memref<1x128x256xf32, #tpu.memory_space<vmem>>) attributes {dimension_semantics = [#tpu.dimension_semantics<arbitrary>, #tpu.dimension_semantics<arbitrary>], iteration_bounds = array<i64: 2, 4>, scalar_prefetch = 0 : i64, scratch_operands = 0 : i64, tpu.core_type = #tpu.core_type<tc>, window_params = [{transform_indices = @transform_0, window_bounds = array<i64: 1, 128, 16, 128>}, {pipeline_mode = #tpu.pipeline_mode<synchronous>, transform_indices = @transform_1, window_bounds = array<i64: 1, 128>}, {pipeline_mode = #tpu.pipeline_mode<synchronous>, transform_indices = @transform_2, window_bounds = array<i64: 1, 128>}, {pipeline_mode = #tpu.pipeline_mode<synchronous>, transform_indices = @transform_3, window_bounds = array<i64: 1, 128>}, {pipeline_mode = #tpu.pipeline_mode<synchronous>, transform_indices = @transform_4, window_bounds = array<i64: 1, 128>}, {pipeline_mode = #tpu.pipeline_mode<synchronous>, transform_indices = @transform_5, window_bounds = array<i64: 1, 128>}, {pipeline_mode = #tpu.pipeline_mode<synchronous>, transform_indices = @transform_6, window_bounds = array<i64: 256, 128>}, {pipeline_mode = #tpu.pipeline_mode<synchronous>, transform_indices = @transform_7, window_bounds = array<i64: 1, 256>}, {transform_indices = @transform_8, window_bounds = array<i64: 1, 128, 16, 256>}, {transform_indices = @transform_9, window_bounds = array<i64: 1, 128, 256>}]} {
    %get3A = arith.constant 0 : index
    %get3A_0 = arith.constant 0 : index
    %get3A_1 = arith.constant 0 : index
    %get3A_2 = arith.constant 0 : index
    %get3A_3 = vector.load %arg2[%get3A, %get3A_0, %get3A_1, %get3A_2] : memref<1x128x16x128xf32, #tpu.memory_space<vmem>>, vector<1x128x16x128xf32>
    %get3A_4 = vector.shape_cast %get3A_3 : vector<1x128x16x128xf32> to vector<128x16x128xf32>
    %reshape3A = vector.shape_cast %get3A_4 : vector<128x16x128xf32> to vector<2048x128xf32>
    %get3A_5 = arith.constant 0 : index
    %get3A_6 = arith.constant 0 : index
    %get3A_7 = vector.load %arg3[%get3A_5, %get3A_6] : memref<1x128xf32, #tpu.memory_space<vmem>>, vector<1x128xf32>
    %get3A_8 = vector.shape_cast %get3A_7 : vector<1x128xf32> to vector<128xf32>
    %broadcast_in_dim3A = vector.shape_cast %get3A_8 : vector<128xf32> to vector<1x128xf32>
    %get3A_9 = arith.constant 0 : index
    %get3A_10 = arith.constant 0 : index
    %get3A_11 = vector.load %arg4[%get3A_9, %get3A_10] : memref<1x128xf32, #tpu.memory_space<vmem>>, vector<1x128xf32>
    %get3A_12 = vector.shape_cast %get3A_11 : vector<1x128xf32> to vector<128xf32>
    %broadcast_in_dim3A_13 = vector.shape_cast %get3A_12 : vector<128xf32> to vector<1x128xf32>
    %get3A_14 = arith.constant 0 : index
    %get3A_15 = arith.constant 0 : index
    %get3A_16 = vector.load %arg5[%get3A_14, %get3A_15] : memref<1x128xf32, #tpu.memory_space<vmem>>, vector<1x128xf32>
    %get3A_17 = vector.shape_cast %get3A_16 : vector<1x128xf32> to vector<128xf32>
    %broadcast_in_dim3A_18 = vector.shape_cast %get3A_17 : vector<128xf32> to vector<1x128xf32>
    %get3A_19 = arith.constant 0 : index
    %get3A_20 = arith.constant 0 : index
    %get3A_21 = vector.load %arg6[%get3A_19, %get3A_20] : memref<1x128xf32, #tpu.memory_space<vmem>>, vector<1x128xf32>
    %get3A_22 = vector.shape_cast %get3A_21 : vector<1x128xf32> to vector<128xf32>
    %broadcast_in_dim3A_23 = vector.shape_cast %get3A_22 : vector<128xf32> to vector<1x128xf32>
    %get3A_24 = arith.constant 0 : index
    %get3A_25 = arith.constant 0 : index
    %get3A_26 = vector.load %arg7[%get3A_24, %get3A_25] : memref<1x128xf32, #tpu.memory_space<vmem>>, vector<1x128xf32>
    %get3A_27 = vector.shape_cast %get3A_26 : vector<1x128xf32> to vector<128xf32>
    %broadcast_in_dim3A_28 = vector.shape_cast %get3A_27 : vector<128xf32> to vector<1x128xf32>
    %sub3A = vector.broadcast %broadcast_in_dim3A : vector<1x128xf32> to vector<2048x128xf32>
    %sub3A_29 = arith.subf %reshape3A, %sub3A : vector<2048x128xf32>
    %div3A = vector.broadcast %broadcast_in_dim3A_13 : vector<1x128xf32> to vector<2048x128xf32>
    %div3A_30 = arith.divf %sub3A_29, %div3A : vector<2048x128xf32>
    %mul3A = vector.broadcast %broadcast_in_dim3A_18 : vector<1x128xf32> to vector<2048x128xf32>
    %mul3A_31 = arith.mulf %div3A_30, %mul3A : vector<2048x128xf32>
    %add3A = vector.broadcast %broadcast_in_dim3A_23 : vector<1x128xf32> to vector<2048x128xf32>
    %add3A_32 = arith.addf %mul3A_31, %add3A : vector<2048x128xf32>
    %max3A = vector.broadcast %broadcast_in_dim3A_28 : vector<1x128xf32> to vector<2048x128xf32>
    %max3A_33 = arith.maximumf %add3A_32, %max3A : vector<2048x128xf32>
    %get3A_34 = arith.constant 0 : index
    %get3A_35 = arith.constant 0 : index
    %get3A_36 = vector.load %arg8[%get3A_34, %get3A_35] : memref<256x128xf32, #tpu.memory_space<vmem>>, vector<256x128xf32>
    %dot_general3A = arith.constant dense<0.000000e+00> : vector<2048x256xf32>
    %dot_general3A_37 = tpu.matmul %max3A_33, %get3A_36, %dot_general3A {dimension_numbers = #tpu.dot_dimension_numbers<[1], [1], [0], [0], [0, 0, 1, 0], [], []>, transpose_lhs_hint = false} : vector<2048x128xf32>, vector<256x128xf32>, vector<2048x256xf32> -> vector<2048x256xf32>
    %get3A_38 = arith.constant 0 : index
    %get3A_39 = arith.constant 0 : index
    %get3A_40 = vector.load %arg9[%get3A_38, %get3A_39] : memref<1x256xf32, #tpu.memory_space<vmem>>, vector<1x256xf32>
    %get3A_41 = vector.shape_cast %get3A_40 : vector<1x256xf32> to vector<256xf32>
    %broadcast_in_dim3A_42 = vector.shape_cast %get3A_41 : vector<256xf32> to vector<1x256xf32>
    %add3A_43 = vector.broadcast %broadcast_in_dim3A_42 : vector<1x256xf32> to vector<2048x256xf32>
    %add3A_44 = arith.addf %dot_general3A_37, %add3A_43 : vector<2048x256xf32>
    %reshape3A_45 = vector.shape_cast %add3A_44 : vector<2048x256xf32> to vector<128x16x256xf32>
    %swap3A = arith.constant 0 : index
    %swap3A_46 = arith.constant 0 : index
    %swap3A_47 = arith.constant 0 : index
    %swap3A_48 = arith.constant 0 : index
    %swap3A_49 = vector.load %arg10[%swap3A, %swap3A_46, %swap3A_47, %swap3A_48] : memref<1x128x16x256xf32, #tpu.memory_space<vmem>>, vector<1x128x16x256xf32>
    %swap3A_50 = vector.shape_cast %swap3A_49 : vector<1x128x16x256xf32> to vector<128x16x256xf32>
    %swap3A_51 = vector.shape_cast %reshape3A_45 : vector<128x16x256xf32> to vector<1x128x16x256xf32>
    tpu.vector_store %arg10[%swap3A, %swap3A_46, %swap3A_47, %swap3A_48], %swap3A_51 {strides = array<i32>} : memref<1x128x16x256xf32, #tpu.memory_space<vmem>>, vector<1x128x16x256xf32>,
    %reduce_max3A = arith.constant dense<0xFF800000> : vector<128x256xf32>
    %reduce_max3A_52 = vector.multi_reduction <maximumf>, %reshape3A_45, %reduce_max3A [1] : vector<128x16x256xf32> to vector<128x256xf32>
    %swap3A_53 = arith.constant 0 : index
    %swap3A_54 = arith.constant 0 : index
    %swap3A_55 = arith.constant 0 : index
    %swap3A_56 = vector.load %arg11[%swap3A_53, %swap3A_54, %swap3A_55] : memref<1x128x256xf32, #tpu.memory_space<vmem>>, vector<1x128x256xf32>
    %swap3A_57 = vector.shape_cast %swap3A_56 : vector<1x128x256xf32> to vector<128x256xf32>
    %swap3A_58 = vector.shape_cast %reduce_max3A_52 : vector<128x256xf32> to vector<1x128x256xf32>
    tpu.vector_store %arg11[%swap3A_53, %swap3A_54, %swap3A_55], %swap3A_58 {strides = array<i32>} : memref<1x128x256xf32, #tpu.memory_space<vmem>>, vector<1x128x256xf32>,
    return
  }
  func.func @transform_0(%arg0: i32, %arg1: i32) -> (i32, i32, i32, i32) {
    %c0_i32 = arith.constant 0 : i32
    %c0_i32_0 = arith.constant 0 : i32
    %c0_i32_1 = arith.constant 0 : i32
    return %arg0, %arg1, %c0_i32, %c0_i32_0 : i32, i32, i32, i32
  }
  func.func @transform_1(%arg0: i32, %arg1: i32) -> (i32, i32) {
    %c0_i32 = arith.constant 0 : i32
    %c0_i32_0 = arith.constant 0 : i32
    %c0_i32_1 = arith.constant 0 : i32
    return %c0_i32, %c0_i32_0 : i32, i32
  }
  func.func @transform_2(%arg0: i32, %arg1: i32) -> (i32, i32) {
    %c0_i32 = arith.constant 0 : i32
    %c0_i32_0 = arith.constant 0 : i32
    %c0_i32_1 = arith.constant 0 : i32
    return %c0_i32, %c0_i32_0 : i32, i32
  }
  func.func @transform_3(%arg0: i32, %arg1: i32) -> (i32, i32) {
    %c0_i32 = arith.constant 0 : i32
    %c0_i32_0 = arith.constant 0 : i32
    %c0_i32_1 = arith.constant 0 : i32
    return %c0_i32, %c0_i32_0 : i32, i32
  }
  func.func @transform_4(%arg0: i32, %arg1: i32) -> (i32, i32) {
    %c0_i32 = arith.constant 0 : i32
    %c0_i32_0 = arith.constant 0 : i32
    %c0_i32_1 = arith.constant 0 : i32
    return %c0_i32, %c0_i32_0 : i32, i32
  }
  func.func @transform_5(%arg0: i32, %arg1: i32) -> (i32, i32) {
    %c0_i32 = arith.constant 0 : i32
    %c0_i32_0 = arith.constant 0 : i32
    %c0_i32_1 = arith.constant 0 : i32
    return %c0_i32, %c0_i32_0 : i32, i32
  }
  func.func @transform_6(%arg0: i32, %arg1: i32) -> (i32, i32) {
    %c0_i32 = arith.constant 0 : i32
    %c0_i32_0 = arith.constant 0 : i32
    %c0_i32_1 = arith.constant 0 : i32
    return %c0_i32, %c0_i32_0 : i32, i32
  }
  func.func @transform_7(%arg0: i32, %arg1: i32) -> (i32, i32) {
    %c0_i32 = arith.constant 0 : i32
    %c0_i32_0 = arith.constant 0 : i32
    %c0_i32_1 = arith.constant 0 : i32
    return %c0_i32, %c0_i32_0 : i32, i32
  }
  func.func @transform_8(%arg0: i32, %arg1: i32) -> (i32, i32, i32, i32) {
    %c0_i32 = arith.constant 0 : i32
    %c0_i32_0 = arith.constant 0 : i32
    %c0_i32_1 = arith.constant 0 : i32
    return %arg0, %arg1, %c0_i32, %c0_i32_0 : i32, i32, i32, i32
  }
  func.func @transform_9(%arg0: i32, %arg1: i32) -> (i32, i32, i32) {
    %c0_i32 = arith.constant 0 : i32
    %c0_i32_0 = arith.constant 0 : i32
    return %arg0, %arg1, %c0_i32 : i32, i32, i32
  }
}

module attributes {stable_mosaic.version = 14 : i64} {
  func.func @_mlp_stage_body(%arg0: i32, %arg1: i32, %arg2: memref<1x128x16x259xf32, #tpu.memory_space<vmem>>, %arg3: memref<1x259xf32, #tpu.memory_space<vmem>>, %arg4: memref<1x259xf32, #tpu.memory_space<vmem>>, %arg5: memref<1x259xf32, #tpu.memory_space<vmem>>, %arg6: memref<1x259xf32, #tpu.memory_space<vmem>>, %arg7: memref<1x259xf32, #tpu.memory_space<vmem>>, %arg8: memref<128x259xf32, #tpu.memory_space<vmem>>, %arg9: memref<1x128xf32, #tpu.memory_space<vmem>>, %arg10: memref<1x128x16x128xf32, #tpu.memory_space<vmem>>) attributes {dimension_semantics = [#tpu.dimension_semantics<arbitrary>, #tpu.dimension_semantics<arbitrary>], iteration_bounds = array<i64: 2, 2>, scalar_prefetch = 0 : i64, scratch_operands = 0 : i64, tpu.core_type = #tpu.core_type<tc>, window_params = [{transform_indices = @transform_0, window_bounds = array<i64: 1, 128, 16, 259>}, {pipeline_mode = #tpu.pipeline_mode<synchronous>, transform_indices = @transform_1, window_bounds = array<i64: 1, 259>}, {pipeline_mode = #tpu.pipeline_mode<synchronous>, transform_indices = @transform_2, window_bounds = array<i64: 1, 259>}, {pipeline_mode = #tpu.pipeline_mode<synchronous>, transform_indices = @transform_3, window_bounds = array<i64: 1, 259>}, {pipeline_mode = #tpu.pipeline_mode<synchronous>, transform_indices = @transform_4, window_bounds = array<i64: 1, 259>}, {pipeline_mode = #tpu.pipeline_mode<synchronous>, transform_indices = @transform_5, window_bounds = array<i64: 1, 259>}, {pipeline_mode = #tpu.pipeline_mode<synchronous>, transform_indices = @transform_6, window_bounds = array<i64: 128, 259>}, {pipeline_mode = #tpu.pipeline_mode<synchronous>, transform_indices = @transform_7, window_bounds = array<i64: 1, 128>}, {transform_indices = @transform_8, window_bounds = array<i64: 1, 128, 16, 128>}]} {
    %get3A = arith.constant 0 : index
    %get3A_0 = arith.constant 0 : index
    %get3A_1 = arith.constant 0 : index
    %get3A_2 = arith.constant 0 : index
    %get3A_3 = vector.load %arg2[%get3A, %get3A_0, %get3A_1, %get3A_2] : memref<1x128x16x259xf32, #tpu.memory_space<vmem>>, vector<1x128x16x259xf32>
    %get3A_4 = vector.shape_cast %get3A_3 : vector<1x128x16x259xf32> to vector<128x16x259xf32>
    %reshape3A = vector.shape_cast %get3A_4 : vector<128x16x259xf32> to vector<2048x259xf32>
    %get3A_5 = arith.constant 0 : index
    %get3A_6 = arith.constant 0 : index
    %get3A_7 = vector.load %arg3[%get3A_5, %get3A_6] : memref<1x259xf32, #tpu.memory_space<vmem>>, vector<1x259xf32>
    %get3A_8 = vector.shape_cast %get3A_7 : vector<1x259xf32> to vector<259xf32>
    %broadcast_in_dim3A = vector.shape_cast %get3A_8 : vector<259xf32> to vector<1x259xf32>
    %get3A_9 = arith.constant 0 : index
    %get3A_10 = arith.constant 0 : index
    %get3A_11 = vector.load %arg4[%get3A_9, %get3A_10] : memref<1x259xf32, #tpu.memory_space<vmem>>, vector<1x259xf32>
    %get3A_12 = vector.shape_cast %get3A_11 : vector<1x259xf32> to vector<259xf32>
    %broadcast_in_dim3A_13 = vector.shape_cast %get3A_12 : vector<259xf32> to vector<1x259xf32>
    %get3A_14 = arith.constant 0 : index
    %get3A_15 = arith.constant 0 : index
    %get3A_16 = vector.load %arg5[%get3A_14, %get3A_15] : memref<1x259xf32, #tpu.memory_space<vmem>>, vector<1x259xf32>
    %get3A_17 = vector.shape_cast %get3A_16 : vector<1x259xf32> to vector<259xf32>
    %broadcast_in_dim3A_18 = vector.shape_cast %get3A_17 : vector<259xf32> to vector<1x259xf32>
    %get3A_19 = arith.constant 0 : index
    %get3A_20 = arith.constant 0 : index
    %get3A_21 = vector.load %arg6[%get3A_19, %get3A_20] : memref<1x259xf32, #tpu.memory_space<vmem>>, vector<1x259xf32>
    %get3A_22 = vector.shape_cast %get3A_21 : vector<1x259xf32> to vector<259xf32>
    %broadcast_in_dim3A_23 = vector.shape_cast %get3A_22 : vector<259xf32> to vector<1x259xf32>
    %get3A_24 = arith.constant 0 : index
    %get3A_25 = arith.constant 0 : index
    %get3A_26 = vector.load %arg7[%get3A_24, %get3A_25] : memref<1x259xf32, #tpu.memory_space<vmem>>, vector<1x259xf32>
    %get3A_27 = vector.shape_cast %get3A_26 : vector<1x259xf32> to vector<259xf32>
    %broadcast_in_dim3A_28 = vector.shape_cast %get3A_27 : vector<259xf32> to vector<1x259xf32>
    %sub3A = vector.broadcast %broadcast_in_dim3A : vector<1x259xf32> to vector<2048x259xf32>
    %sub3A_29 = arith.subf %reshape3A, %sub3A : vector<2048x259xf32>
    %div3A = vector.broadcast %broadcast_in_dim3A_13 : vector<1x259xf32> to vector<2048x259xf32>
    %div3A_30 = arith.divf %sub3A_29, %div3A : vector<2048x259xf32>
    %mul3A = vector.broadcast %broadcast_in_dim3A_18 : vector<1x259xf32> to vector<2048x259xf32>
    %mul3A_31 = arith.mulf %div3A_30, %mul3A : vector<2048x259xf32>
    %add3A = vector.broadcast %broadcast_in_dim3A_23 : vector<1x259xf32> to vector<2048x259xf32>
    %add3A_32 = arith.addf %mul3A_31, %add3A : vector<2048x259xf32>
    %max3A = vector.broadcast %broadcast_in_dim3A_28 : vector<1x259xf32> to vector<2048x259xf32>
    %max3A_33 = arith.maximumf %add3A_32, %max3A : vector<2048x259xf32>
    %get3A_34 = arith.constant 0 : index
    %get3A_35 = arith.constant 0 : index
    %get3A_36 = vector.load %arg8[%get3A_34, %get3A_35] : memref<128x259xf32, #tpu.memory_space<vmem>>, vector<128x259xf32>
    %dot_general3A = arith.constant dense<0.000000e+00> : vector<2048x128xf32>
    %dot_general3A_37 = tpu.matmul %max3A_33, %get3A_36, %dot_general3A {dimension_numbers = #tpu.dot_dimension_numbers<[1], [1], [0], [0], [0, 0, 1, 0], [], []>, transpose_lhs_hint = false} : vector<2048x259xf32>, vector<128x259xf32>, vector<2048x128xf32> -> vector<2048x128xf32>
    %get3A_38 = arith.constant 0 : index
    %get3A_39 = arith.constant 0 : index
    %get3A_40 = vector.load %arg9[%get3A_38, %get3A_39] : memref<1x128xf32, #tpu.memory_space<vmem>>, vector<1x128xf32>
    %get3A_41 = vector.shape_cast %get3A_40 : vector<1x128xf32> to vector<128xf32>
    %broadcast_in_dim3A_42 = vector.shape_cast %get3A_41 : vector<128xf32> to vector<1x128xf32>
    %add3A_43 = vector.broadcast %broadcast_in_dim3A_42 : vector<1x128xf32> to vector<2048x128xf32>
    %add3A_44 = arith.addf %dot_general3A_37, %add3A_43 : vector<2048x128xf32>
    %reshape3A_45 = vector.shape_cast %add3A_44 : vector<2048x128xf32> to vector<128x16x128xf32>
    %swap3A = arith.constant 0 : index
    %swap3A_46 = arith.constant 0 : index
    %swap3A_47 = arith.constant 0 : index
    %swap3A_48 = arith.constant 0 : index
    %swap3A_49 = vector.load %arg10[%swap3A, %swap3A_46, %swap3A_47, %swap3A_48] : memref<1x128x16x128xf32, #tpu.memory_space<vmem>>, vector<1x128x16x128xf32>
    %swap3A_50 = vector.shape_cast %swap3A_49 : vector<1x128x16x128xf32> to vector<128x16x128xf32>
    %swap3A_51 = vector.shape_cast %reshape3A_45 : vector<128x16x128xf32> to vector<1x128x16x128xf32>
    tpu.vector_store %arg10[%swap3A, %swap3A_46, %swap3A_47, %swap3A_48], %swap3A_51 {strides = array<i32>} : memref<1x128x16x128xf32, #tpu.memory_space<vmem>>, vector<1x128x16x128xf32>,
    return
  }
  func.func @transform_0(%arg0: i32, %arg1: i32) -> (i32, i32, i32, i32) {
    %c0_i32 = arith.constant 0 : i32
    %c0_i32_0 = arith.constant 0 : i32
    %c0_i32_1 = arith.constant 0 : i32
    return %arg0, %arg1, %c0_i32, %c0_i32_0 : i32, i32, i32, i32
  }
  func.func @transform_1(%arg0: i32, %arg1: i32) -> (i32, i32) {
    %c0_i32 = arith.constant 0 : i32
    %c0_i32_0 = arith.constant 0 : i32
    %c0_i32_1 = arith.constant 0 : i32
    return %c0_i32, %c0_i32_0 : i32, i32
  }
  func.func @transform_2(%arg0: i32, %arg1: i32) -> (i32, i32) {
    %c0_i32 = arith.constant 0 : i32
    %c0_i32_0 = arith.constant 0 : i32
    %c0_i32_1 = arith.constant 0 : i32
    return %c0_i32, %c0_i32_0 : i32, i32
  }
  func.func @transform_3(%arg0: i32, %arg1: i32) -> (i32, i32) {
    %c0_i32 = arith.constant 0 : i32
    %c0_i32_0 = arith.constant 0 : i32
    %c0_i32_1 = arith.constant 0 : i32
    return %c0_i32, %c0_i32_0 : i32, i32
  }
  func.func @transform_4(%arg0: i32, %arg1: i32) -> (i32, i32) {
    %c0_i32 = arith.constant 0 : i32
    %c0_i32_0 = arith.constant 0 : i32
    %c0_i32_1 = arith.constant 0 : i32
    return %c0_i32, %c0_i32_0 : i32, i32
  }
  func.func @transform_5(%arg0: i32, %arg1: i32) -> (i32, i32) {
    %c0_i32 = arith.constant 0 : i32
    %c0_i32_0 = arith.constant 0 : i32
    %c0_i32_1 = arith.constant 0 : i32
    return %c0_i32, %c0_i32_0 : i32, i32
  }
  func.func @transform_6(%arg0: i32, %arg1: i32) -> (i32, i32) {
    %c0_i32 = arith.constant 0 : i32
    %c0_i32_0 = arith.constant 0 : i32
    %c0_i32_1 = arith.constant 0 : i32
    return %c0_i32, %c0_i32_0 : i32, i32
  }
  func.func @transform_7(%arg0: i32, %arg1: i32) -> (i32, i32) {
    %c0_i32 = arith.constant 0 : i32
    %c0_i32_0 = arith.constant 0 : i32
    %c0_i32_1 = arith.constant 0 : i32
    return %c0_i32, %c0_i32_0 : i32, i32
  }
  func.func @transform_8(%arg0: i32, %arg1: i32) -> (i32, i32, i32, i32) {
    %c0_i32 = arith.constant 0 : i32
    %c0_i32_0 = arith.constant 0 : i32
    %c0_i32_1 = arith.constant 0 : i32
    return %arg0, %arg1, %c0_i32, %c0_i32_0 : i32, i32, i32, i32
  }
}

module attributes {stable_mosaic.version = 14 : i64} {
  func.func @_mlp_stage_body(%arg0: i32, %arg1: i32, %arg2: memref<1x128x16x128xf32, #tpu.memory_space<vmem>>, %arg3: memref<1x128xf32, #tpu.memory_space<vmem>>, %arg4: memref<1x128xf32, #tpu.memory_space<vmem>>, %arg5: memref<1x128xf32, #tpu.memory_space<vmem>>, %arg6: memref<1x128xf32, #tpu.memory_space<vmem>>, %arg7: memref<1x128xf32, #tpu.memory_space<vmem>>, %arg8: memref<128x128xf32, #tpu.memory_space<vmem>>, %arg9: memref<1x128xf32, #tpu.memory_space<vmem>>, %arg10: memref<1x128x16x128xf32, #tpu.memory_space<vmem>>) attributes {dimension_semantics = [#tpu.dimension_semantics<arbitrary>, #tpu.dimension_semantics<arbitrary>], iteration_bounds = array<i64: 2, 2>, scalar_prefetch = 0 : i64, scratch_operands = 0 : i64, tpu.core_type = #tpu.core_type<tc>, window_params = [{transform_indices = @transform_0, window_bounds = array<i64: 1, 128, 16, 128>}, {pipeline_mode = #tpu.pipeline_mode<synchronous>, transform_indices = @transform_1, window_bounds = array<i64: 1, 128>}, {pipeline_mode = #tpu.pipeline_mode<synchronous>, transform_indices = @transform_2, window_bounds = array<i64: 1, 128>}, {pipeline_mode = #tpu.pipeline_mode<synchronous>, transform_indices = @transform_3, window_bounds = array<i64: 1, 128>}, {pipeline_mode = #tpu.pipeline_mode<synchronous>, transform_indices = @transform_4, window_bounds = array<i64: 1, 128>}, {pipeline_mode = #tpu.pipeline_mode<synchronous>, transform_indices = @transform_5, window_bounds = array<i64: 1, 128>}, {pipeline_mode = #tpu.pipeline_mode<synchronous>, transform_indices = @transform_6, window_bounds = array<i64: 128, 128>}, {pipeline_mode = #tpu.pipeline_mode<synchronous>, transform_indices = @transform_7, window_bounds = array<i64: 1, 128>}, {transform_indices = @transform_8, window_bounds = array<i64: 1, 128, 16, 128>}]} {
    %get3A = arith.constant 0 : index
    %get3A_0 = arith.constant 0 : index
    %get3A_1 = arith.constant 0 : index
    %get3A_2 = arith.constant 0 : index
    %get3A_3 = vector.load %arg2[%get3A, %get3A_0, %get3A_1, %get3A_2] : memref<1x128x16x128xf32, #tpu.memory_space<vmem>>, vector<1x128x16x128xf32>
    %get3A_4 = vector.shape_cast %get3A_3 : vector<1x128x16x128xf32> to vector<128x16x128xf32>
    %reshape3A = vector.shape_cast %get3A_4 : vector<128x16x128xf32> to vector<2048x128xf32>
    %get3A_5 = arith.constant 0 : index
    %get3A_6 = arith.constant 0 : index
    %get3A_7 = vector.load %arg3[%get3A_5, %get3A_6] : memref<1x128xf32, #tpu.memory_space<vmem>>, vector<1x128xf32>
    %get3A_8 = vector.shape_cast %get3A_7 : vector<1x128xf32> to vector<128xf32>
    %broadcast_in_dim3A = vector.shape_cast %get3A_8 : vector<128xf32> to vector<1x128xf32>
    %get3A_9 = arith.constant 0 : index
    %get3A_10 = arith.constant 0 : index
    %get3A_11 = vector.load %arg4[%get3A_9, %get3A_10] : memref<1x128xf32, #tpu.memory_space<vmem>>, vector<1x128xf32>
    %get3A_12 = vector.shape_cast %get3A_11 : vector<1x128xf32> to vector<128xf32>
    %broadcast_in_dim3A_13 = vector.shape_cast %get3A_12 : vector<128xf32> to vector<1x128xf32>
    %get3A_14 = arith.constant 0 : index
    %get3A_15 = arith.constant 0 : index
    %get3A_16 = vector.load %arg5[%get3A_14, %get3A_15] : memref<1x128xf32, #tpu.memory_space<vmem>>, vector<1x128xf32>
    %get3A_17 = vector.shape_cast %get3A_16 : vector<1x128xf32> to vector<128xf32>
    %broadcast_in_dim3A_18 = vector.shape_cast %get3A_17 : vector<128xf32> to vector<1x128xf32>
    %get3A_19 = arith.constant 0 : index
    %get3A_20 = arith.constant 0 : index
    %get3A_21 = vector.load %arg6[%get3A_19, %get3A_20] : memref<1x128xf32, #tpu.memory_space<vmem>>, vector<1x128xf32>
    %get3A_22 = vector.shape_cast %get3A_21 : vector<1x128xf32> to vector<128xf32>
    %broadcast_in_dim3A_23 = vector.shape_cast %get3A_22 : vector<128xf32> to vector<1x128xf32>
    %get3A_24 = arith.constant 0 : index
    %get3A_25 = arith.constant 0 : index
    %get3A_26 = vector.load %arg7[%get3A_24, %get3A_25] : memref<1x128xf32, #tpu.memory_space<vmem>>, vector<1x128xf32>
    %get3A_27 = vector.shape_cast %get3A_26 : vector<1x128xf32> to vector<128xf32>
    %broadcast_in_dim3A_28 = vector.shape_cast %get3A_27 : vector<128xf32> to vector<1x128xf32>
    %sub3A = vector.broadcast %broadcast_in_dim3A : vector<1x128xf32> to vector<2048x128xf32>
    %sub3A_29 = arith.subf %reshape3A, %sub3A : vector<2048x128xf32>
    %div3A = vector.broadcast %broadcast_in_dim3A_13 : vector<1x128xf32> to vector<2048x128xf32>
    %div3A_30 = arith.divf %sub3A_29, %div3A : vector<2048x128xf32>
    %mul3A = vector.broadcast %broadcast_in_dim3A_18 : vector<1x128xf32> to vector<2048x128xf32>
    %mul3A_31 = arith.mulf %div3A_30, %mul3A : vector<2048x128xf32>
    %add3A = vector.broadcast %broadcast_in_dim3A_23 : vector<1x128xf32> to vector<2048x128xf32>
    %add3A_32 = arith.addf %mul3A_31, %add3A : vector<2048x128xf32>
    %max3A = vector.broadcast %broadcast_in_dim3A_28 : vector<1x128xf32> to vector<2048x128xf32>
    %max3A_33 = arith.maximumf %add3A_32, %max3A : vector<2048x128xf32>
    %get3A_34 = arith.constant 0 : index
    %get3A_35 = arith.constant 0 : index
    %get3A_36 = vector.load %arg8[%get3A_34, %get3A_35] : memref<128x128xf32, #tpu.memory_space<vmem>>, vector<128x128xf32>
    %dot_general3A = arith.constant dense<0.000000e+00> : vector<2048x128xf32>
    %dot_general3A_37 = tpu.matmul %max3A_33, %get3A_36, %dot_general3A {dimension_numbers = #tpu.dot_dimension_numbers<[1], [1], [0], [0], [0, 0, 1, 0], [], []>, transpose_lhs_hint = false} : vector<2048x128xf32>, vector<128x128xf32>, vector<2048x128xf32> -> vector<2048x128xf32>
    %get3A_38 = arith.constant 0 : index
    %get3A_39 = arith.constant 0 : index
    %get3A_40 = vector.load %arg9[%get3A_38, %get3A_39] : memref<1x128xf32, #tpu.memory_space<vmem>>, vector<1x128xf32>
    %get3A_41 = vector.shape_cast %get3A_40 : vector<1x128xf32> to vector<128xf32>
    %broadcast_in_dim3A_42 = vector.shape_cast %get3A_41 : vector<128xf32> to vector<1x128xf32>
    %add3A_43 = vector.broadcast %broadcast_in_dim3A_42 : vector<1x128xf32> to vector<2048x128xf32>
    %add3A_44 = arith.addf %dot_general3A_37, %add3A_43 : vector<2048x128xf32>
    %reshape3A_45 = vector.shape_cast %add3A_44 : vector<2048x128xf32> to vector<128x16x128xf32>
    %swap3A = arith.constant 0 : index
    %swap3A_46 = arith.constant 0 : index
    %swap3A_47 = arith.constant 0 : index
    %swap3A_48 = arith.constant 0 : index
    %swap3A_49 = vector.load %arg10[%swap3A, %swap3A_46, %swap3A_47, %swap3A_48] : memref<1x128x16x128xf32, #tpu.memory_space<vmem>>, vector<1x128x16x128xf32>
    %swap3A_50 = vector.shape_cast %swap3A_49 : vector<1x128x16x128xf32> to vector<128x16x128xf32>
    %swap3A_51 = vector.shape_cast %reshape3A_45 : vector<128x16x128xf32> to vector<1x128x16x128xf32>
    tpu.vector_store %arg10[%swap3A, %swap3A_46, %swap3A_47, %swap3A_48], %swap3A_51 {strides = array<i32>} : memref<1x128x16x128xf32, #tpu.memory_space<vmem>>, vector<1x128x16x128xf32>,
    return
  }
  func.func @transform_0(%arg0: i32, %arg1: i32) -> (i32, i32, i32, i32) {
    %c0_i32 = arith.constant 0 : i32
    %c0_i32_0 = arith.constant 0 : i32
    %c0_i32_1 = arith.constant 0 : i32
    return %arg0, %arg1, %c0_i32, %c0_i32_0 : i32, i32, i32, i32
  }
  func.func @transform_1(%arg0: i32, %arg1: i32) -> (i32, i32) {
    %c0_i32 = arith.constant 0 : i32
    %c0_i32_0 = arith.constant 0 : i32
    %c0_i32_1 = arith.constant 0 : i32
    return %c0_i32, %c0_i32_0 : i32, i32
  }
  func.func @transform_2(%arg0: i32, %arg1: i32) -> (i32, i32) {
    %c0_i32 = arith.constant 0 : i32
    %c0_i32_0 = arith.constant 0 : i32
    %c0_i32_1 = arith.constant 0 : i32
    return %c0_i32, %c0_i32_0 : i32, i32
  }
  func.func @transform_3(%arg0: i32, %arg1: i32) -> (i32, i32) {
    %c0_i32 = arith.constant 0 : i32
    %c0_i32_0 = arith.constant 0 : i32
    %c0_i32_1 = arith.constant 0 : i32
    return %c0_i32, %c0_i32_0 : i32, i32
  }
  func.func @transform_4(%arg0: i32, %arg1: i32) -> (i32, i32) {
    %c0_i32 = arith.constant 0 : i32
    %c0_i32_0 = arith.constant 0 : i32
    %c0_i32_1 = arith.constant 0 : i32
    return %c0_i32, %c0_i32_0 : i32, i32
  }
  func.func @transform_5(%arg0: i32, %arg1: i32) -> (i32, i32) {
    %c0_i32 = arith.constant 0 : i32
    %c0_i32_0 = arith.constant 0 : i32
    %c0_i32_1 = arith.constant 0 : i32
    return %c0_i32, %c0_i32_0 : i32, i32
  }
  func.func @transform_6(%arg0: i32, %arg1: i32) -> (i32, i32) {
    %c0_i32 = arith.constant 0 : i32
    %c0_i32_0 = arith.constant 0 : i32
    %c0_i32_1 = arith.constant 0 : i32
    return %c0_i32, %c0_i32_0 : i32, i32
  }
  func.func @transform_7(%arg0: i32, %arg1: i32) -> (i32, i32) {
    %c0_i32 = arith.constant 0 : i32
    %c0_i32_0 = arith.constant 0 : i32
    %c0_i32_1 = arith.constant 0 : i32
    return %c0_i32, %c0_i32_0 : i32, i32
  }
  func.func @transform_8(%arg0: i32, %arg1: i32) -> (i32, i32, i32, i32) {
    %c0_i32 = arith.constant 0 : i32
    %c0_i32_0 = arith.constant 0 : i32
    %c0_i32_1 = arith.constant 0 : i32
    return %arg0, %arg1, %c0_i32, %c0_i32_0 : i32, i32, i32, i32
  }
}

module attributes {stable_mosaic.version = 14 : i64} {
  func.func @_mlp_stage_body(%arg0: i32, %arg1: i32, %arg2: memref<1x128x16x128xf32, #tpu.memory_space<vmem>>, %arg3: memref<1x128xf32, #tpu.memory_space<vmem>>, %arg4: memref<1x128xf32, #tpu.memory_space<vmem>>, %arg5: memref<1x128xf32, #tpu.memory_space<vmem>>, %arg6: memref<1x128xf32, #tpu.memory_space<vmem>>, %arg7: memref<1x128xf32, #tpu.memory_space<vmem>>, %arg8: memref<256x128xf32, #tpu.memory_space<vmem>>, %arg9: memref<1x256xf32, #tpu.memory_space<vmem>>, %arg10: memref<1x128x16x256xf32, #tpu.memory_space<vmem>>, %arg11: memref<1x128x256xf32, #tpu.memory_space<vmem>>) attributes {dimension_semantics = [#tpu.dimension_semantics<arbitrary>, #tpu.dimension_semantics<arbitrary>], iteration_bounds = array<i64: 2, 2>, scalar_prefetch = 0 : i64, scratch_operands = 0 : i64, tpu.core_type = #tpu.core_type<tc>, window_params = [{transform_indices = @transform_0, window_bounds = array<i64: 1, 128, 16, 128>}, {pipeline_mode = #tpu.pipeline_mode<synchronous>, transform_indices = @transform_1, window_bounds = array<i64: 1, 128>}, {pipeline_mode = #tpu.pipeline_mode<synchronous>, transform_indices = @transform_2, window_bounds = array<i64: 1, 128>}, {pipeline_mode = #tpu.pipeline_mode<synchronous>, transform_indices = @transform_3, window_bounds = array<i64: 1, 128>}, {pipeline_mode = #tpu.pipeline_mode<synchronous>, transform_indices = @transform_4, window_bounds = array<i64: 1, 128>}, {pipeline_mode = #tpu.pipeline_mode<synchronous>, transform_indices = @transform_5, window_bounds = array<i64: 1, 128>}, {pipeline_mode = #tpu.pipeline_mode<synchronous>, transform_indices = @transform_6, window_bounds = array<i64: 256, 128>}, {pipeline_mode = #tpu.pipeline_mode<synchronous>, transform_indices = @transform_7, window_bounds = array<i64: 1, 256>}, {transform_indices = @transform_8, window_bounds = array<i64: 1, 128, 16, 256>}, {transform_indices = @transform_9, window_bounds = array<i64: 1, 128, 256>}]} {
    %get3A = arith.constant 0 : index
    %get3A_0 = arith.constant 0 : index
    %get3A_1 = arith.constant 0 : index
    %get3A_2 = arith.constant 0 : index
    %get3A_3 = vector.load %arg2[%get3A, %get3A_0, %get3A_1, %get3A_2] : memref<1x128x16x128xf32, #tpu.memory_space<vmem>>, vector<1x128x16x128xf32>
    %get3A_4 = vector.shape_cast %get3A_3 : vector<1x128x16x128xf32> to vector<128x16x128xf32>
    %reshape3A = vector.shape_cast %get3A_4 : vector<128x16x128xf32> to vector<2048x128xf32>
    %get3A_5 = arith.constant 0 : index
    %get3A_6 = arith.constant 0 : index
    %get3A_7 = vector.load %arg3[%get3A_5, %get3A_6] : memref<1x128xf32, #tpu.memory_space<vmem>>, vector<1x128xf32>
    %get3A_8 = vector.shape_cast %get3A_7 : vector<1x128xf32> to vector<128xf32>
    %broadcast_in_dim3A = vector.shape_cast %get3A_8 : vector<128xf32> to vector<1x128xf32>
    %get3A_9 = arith.constant 0 : index
    %get3A_10 = arith.constant 0 : index
    %get3A_11 = vector.load %arg4[%get3A_9, %get3A_10] : memref<1x128xf32, #tpu.memory_space<vmem>>, vector<1x128xf32>
    %get3A_12 = vector.shape_cast %get3A_11 : vector<1x128xf32> to vector<128xf32>
    %broadcast_in_dim3A_13 = vector.shape_cast %get3A_12 : vector<128xf32> to vector<1x128xf32>
    %get3A_14 = arith.constant 0 : index
    %get3A_15 = arith.constant 0 : index
    %get3A_16 = vector.load %arg5[%get3A_14, %get3A_15] : memref<1x128xf32, #tpu.memory_space<vmem>>, vector<1x128xf32>
    %get3A_17 = vector.shape_cast %get3A_16 : vector<1x128xf32> to vector<128xf32>
    %broadcast_in_dim3A_18 = vector.shape_cast %get3A_17 : vector<128xf32> to vector<1x128xf32>
    %get3A_19 = arith.constant 0 : index
    %get3A_20 = arith.constant 0 : index
    %get3A_21 = vector.load %arg6[%get3A_19, %get3A_20] : memref<1x128xf32, #tpu.memory_space<vmem>>, vector<1x128xf32>
    %get3A_22 = vector.shape_cast %get3A_21 : vector<1x128xf32> to vector<128xf32>
    %broadcast_in_dim3A_23 = vector.shape_cast %get3A_22 : vector<128xf32> to vector<1x128xf32>
    %get3A_24 = arith.constant 0 : index
    %get3A_25 = arith.constant 0 : index
    %get3A_26 = vector.load %arg7[%get3A_24, %get3A_25] : memref<1x128xf32, #tpu.memory_space<vmem>>, vector<1x128xf32>
    %get3A_27 = vector.shape_cast %get3A_26 : vector<1x128xf32> to vector<128xf32>
    %broadcast_in_dim3A_28 = vector.shape_cast %get3A_27 : vector<128xf32> to vector<1x128xf32>
    %sub3A = vector.broadcast %broadcast_in_dim3A : vector<1x128xf32> to vector<2048x128xf32>
    %sub3A_29 = arith.subf %reshape3A, %sub3A : vector<2048x128xf32>
    %div3A = vector.broadcast %broadcast_in_dim3A_13 : vector<1x128xf32> to vector<2048x128xf32>
    %div3A_30 = arith.divf %sub3A_29, %div3A : vector<2048x128xf32>
    %mul3A = vector.broadcast %broadcast_in_dim3A_18 : vector<1x128xf32> to vector<2048x128xf32>
    %mul3A_31 = arith.mulf %div3A_30, %mul3A : vector<2048x128xf32>
    %add3A = vector.broadcast %broadcast_in_dim3A_23 : vector<1x128xf32> to vector<2048x128xf32>
    %add3A_32 = arith.addf %mul3A_31, %add3A : vector<2048x128xf32>
    %max3A = vector.broadcast %broadcast_in_dim3A_28 : vector<1x128xf32> to vector<2048x128xf32>
    %max3A_33 = arith.maximumf %add3A_32, %max3A : vector<2048x128xf32>
    %get3A_34 = arith.constant 0 : index
    %get3A_35 = arith.constant 0 : index
    %get3A_36 = vector.load %arg8[%get3A_34, %get3A_35] : memref<256x128xf32, #tpu.memory_space<vmem>>, vector<256x128xf32>
    %dot_general3A = arith.constant dense<0.000000e+00> : vector<2048x256xf32>
    %dot_general3A_37 = tpu.matmul %max3A_33, %get3A_36, %dot_general3A {dimension_numbers = #tpu.dot_dimension_numbers<[1], [1], [0], [0], [0, 0, 1, 0], [], []>, transpose_lhs_hint = false} : vector<2048x128xf32>, vector<256x128xf32>, vector<2048x256xf32> -> vector<2048x256xf32>
    %get3A_38 = arith.constant 0 : index
    %get3A_39 = arith.constant 0 : index
    %get3A_40 = vector.load %arg9[%get3A_38, %get3A_39] : memref<1x256xf32, #tpu.memory_space<vmem>>, vector<1x256xf32>
    %get3A_41 = vector.shape_cast %get3A_40 : vector<1x256xf32> to vector<256xf32>
    %broadcast_in_dim3A_42 = vector.shape_cast %get3A_41 : vector<256xf32> to vector<1x256xf32>
    %add3A_43 = vector.broadcast %broadcast_in_dim3A_42 : vector<1x256xf32> to vector<2048x256xf32>
    %add3A_44 = arith.addf %dot_general3A_37, %add3A_43 : vector<2048x256xf32>
    %reshape3A_45 = vector.shape_cast %add3A_44 : vector<2048x256xf32> to vector<128x16x256xf32>
    %swap3A = arith.constant 0 : index
    %swap3A_46 = arith.constant 0 : index
    %swap3A_47 = arith.constant 0 : index
    %swap3A_48 = arith.constant 0 : index
    %swap3A_49 = vector.load %arg10[%swap3A, %swap3A_46, %swap3A_47, %swap3A_48] : memref<1x128x16x256xf32, #tpu.memory_space<vmem>>, vector<1x128x16x256xf32>
    %swap3A_50 = vector.shape_cast %swap3A_49 : vector<1x128x16x256xf32> to vector<128x16x256xf32>
    %swap3A_51 = vector.shape_cast %reshape3A_45 : vector<128x16x256xf32> to vector<1x128x16x256xf32>
    tpu.vector_store %arg10[%swap3A, %swap3A_46, %swap3A_47, %swap3A_48], %swap3A_51 {strides = array<i32>} : memref<1x128x16x256xf32, #tpu.memory_space<vmem>>, vector<1x128x16x256xf32>,
    %reduce_max3A = arith.constant dense<0xFF800000> : vector<128x256xf32>
    %reduce_max3A_52 = vector.multi_reduction <maximumf>, %reshape3A_45, %reduce_max3A [1] : vector<128x16x256xf32> to vector<128x256xf32>
    %swap3A_53 = arith.constant 0 : index
    %swap3A_54 = arith.constant 0 : index
    %swap3A_55 = arith.constant 0 : index
    %swap3A_56 = vector.load %arg11[%swap3A_53, %swap3A_54, %swap3A_55] : memref<1x128x256xf32, #tpu.memory_space<vmem>>, vector<1x128x256xf32>
    %swap3A_57 = vector.shape_cast %swap3A_56 : vector<1x128x256xf32> to vector<128x256xf32>
    %swap3A_58 = vector.shape_cast %reduce_max3A_52 : vector<128x256xf32> to vector<1x128x256xf32>
    tpu.vector_store %arg11[%swap3A_53, %swap3A_54, %swap3A_55], %swap3A_58 {strides = array<i32>} : memref<1x128x256xf32, #tpu.memory_space<vmem>>, vector<1x128x256xf32>,
    return
  }
  func.func @transform_0(%arg0: i32, %arg1: i32) -> (i32, i32, i32, i32) {
    %c0_i32 = arith.constant 0 : i32
    %c0_i32_0 = arith.constant 0 : i32
    %c0_i32_1 = arith.constant 0 : i32
    return %arg0, %arg1, %c0_i32, %c0_i32_0 : i32, i32, i32, i32
  }
  func.func @transform_1(%arg0: i32, %arg1: i32) -> (i32, i32) {
    %c0_i32 = arith.constant 0 : i32
    %c0_i32_0 = arith.constant 0 : i32
    %c0_i32_1 = arith.constant 0 : i32
    return %c0_i32, %c0_i32_0 : i32, i32
  }
  func.func @transform_2(%arg0: i32, %arg1: i32) -> (i32, i32) {
    %c0_i32 = arith.constant 0 : i32
    %c0_i32_0 = arith.constant 0 : i32
    %c0_i32_1 = arith.constant 0 : i32
    return %c0_i32, %c0_i32_0 : i32, i32
  }
  func.func @transform_3(%arg0: i32, %arg1: i32) -> (i32, i32) {
    %c0_i32 = arith.constant 0 : i32
    %c0_i32_0 = arith.constant 0 : i32
    %c0_i32_1 = arith.constant 0 : i32
    return %c0_i32, %c0_i32_0 : i32, i32
  }
  func.func @transform_4(%arg0: i32, %arg1: i32) -> (i32, i32) {
    %c0_i32 = arith.constant 0 : i32
    %c0_i32_0 = arith.constant 0 : i32
    %c0_i32_1 = arith.constant 0 : i32
    return %c0_i32, %c0_i32_0 : i32, i32
  }
  func.func @transform_5(%arg0: i32, %arg1: i32) -> (i32, i32) {
    %c0_i32 = arith.constant 0 : i32
    %c0_i32_0 = arith.constant 0 : i32
    %c0_i32_1 = arith.constant 0 : i32
    return %c0_i32, %c0_i32_0 : i32, i32
  }
  func.func @transform_6(%arg0: i32, %arg1: i32) -> (i32, i32) {
    %c0_i32 = arith.constant 0 : i32
    %c0_i32_0 = arith.constant 0 : i32
    %c0_i32_1 = arith.constant 0 : i32
    return %c0_i32, %c0_i32_0 : i32, i32
  }
  func.func @transform_7(%arg0: i32, %arg1: i32) -> (i32, i32) {
    %c0_i32 = arith.constant 0 : i32
    %c0_i32_0 = arith.constant 0 : i32
    %c0_i32_1 = arith.constant 0 : i32
    return %c0_i32, %c0_i32_0 : i32, i32
  }
  func.func @transform_8(%arg0: i32, %arg1: i32) -> (i32, i32, i32, i32) {
    %c0_i32 = arith.constant 0 : i32
    %c0_i32_0 = arith.constant 0 : i32
    %c0_i32_1 = arith.constant 0 : i32
    return %arg0, %arg1, %c0_i32, %c0_i32_0 : i32, i32, i32, i32
  }
  func.func @transform_9(%arg0: i32, %arg1: i32) -> (i32, i32, i32) {
    %c0_i32 = arith.constant 0 : i32
    %c0_i32_0 = arith.constant 0 : i32
    return %arg0, %arg1, %c0_i32 : i32, i32, i32
  }
}

module attributes {stable_mosaic.version = 14 : i64} {
  func.func @_epilogue_body(%arg0: memref<2x256x256xf32, #tpu.memory_space<vmem>>, %arg1: memref<1x256xf32, #tpu.memory_space<vmem>>, %arg2: memref<1x256xf32, #tpu.memory_space<vmem>>, %arg3: memref<1x256xf32, #tpu.memory_space<vmem>>, %arg4: memref<1x256xf32, #tpu.memory_space<vmem>>, %arg5: memref<2x256x256xf32, #tpu.memory_space<vmem>>) attributes {dimension_semantics = [], scalar_prefetch = 0 : i64, scratch_operands = 0 : i64, tpu.core_type = #tpu.core_type<tc>} {
    %get3A = arith.constant 0 : index
    %get3A_0 = arith.constant 0 : index
    %get3A_1 = arith.constant 0 : index
    %get3A_2 = vector.load %arg0[%get3A, %get3A_0, %get3A_1] : memref<2x256x256xf32, #tpu.memory_space<vmem>>, vector<2x256x256xf32>
    %get3A_3 = arith.constant 0 : index
    %get3A_4 = arith.constant 0 : index
    %get3A_5 = vector.load %arg1[%get3A_3, %get3A_4] : memref<1x256xf32, #tpu.memory_space<vmem>>, vector<1x256xf32>
    %get3A_6 = vector.shape_cast %get3A_5 : vector<1x256xf32> to vector<256xf32>
    %broadcast_in_dim3A = vector.shape_cast %get3A_6 : vector<256xf32> to vector<1x1x256xf32>
    %sub3A = vector.broadcast %broadcast_in_dim3A : vector<1x1x256xf32> to vector<2x256x256xf32>
    %sub3A_7 = arith.subf %get3A_2, %sub3A : vector<2x256x256xf32>
    %get3A_8 = arith.constant 0 : index
    %get3A_9 = arith.constant 0 : index
    %get3A_10 = vector.load %arg2[%get3A_8, %get3A_9] : memref<1x256xf32, #tpu.memory_space<vmem>>, vector<1x256xf32>
    %get3A_11 = vector.shape_cast %get3A_10 : vector<1x256xf32> to vector<256xf32>
    %broadcast_in_dim3A_12 = vector.shape_cast %get3A_11 : vector<256xf32> to vector<1x1x256xf32>
    %div3A = vector.broadcast %broadcast_in_dim3A_12 : vector<1x1x256xf32> to vector<2x256x256xf32>
    %div3A_13 = arith.divf %sub3A_7, %div3A : vector<2x256x256xf32>
    %get3A_14 = arith.constant 0 : index
    %get3A_15 = arith.constant 0 : index
    %get3A_16 = vector.load %arg3[%get3A_14, %get3A_15] : memref<1x256xf32, #tpu.memory_space<vmem>>, vector<1x256xf32>
    %get3A_17 = vector.shape_cast %get3A_16 : vector<1x256xf32> to vector<256xf32>
    %broadcast_in_dim3A_18 = vector.shape_cast %get3A_17 : vector<256xf32> to vector<1x1x256xf32>
    %mul3A = vector.broadcast %broadcast_in_dim3A_18 : vector<1x1x256xf32> to vector<2x256x256xf32>
    %mul3A_19 = arith.mulf %div3A_13, %mul3A : vector<2x256x256xf32>
    %get3A_20 = arith.constant 0 : index
    %get3A_21 = arith.constant 0 : index
    %get3A_22 = vector.load %arg4[%get3A_20, %get3A_21] : memref<1x256xf32, #tpu.memory_space<vmem>>, vector<1x256xf32>
    %get3A_23 = vector.shape_cast %get3A_22 : vector<1x256xf32> to vector<256xf32>
    %broadcast_in_dim3A_24 = vector.shape_cast %get3A_23 : vector<256xf32> to vector<1x1x256xf32>
    %add3A = vector.broadcast %broadcast_in_dim3A_24 : vector<1x1x256xf32> to vector<2x256x256xf32>
    %add3A_25 = arith.addf %mul3A_19, %add3A : vector<2x256x256xf32>
    %max3A = arith.constant 0.000000e+00 : f32
    %max3A_26 = vector.broadcast %max3A : f32 to vector<2x256x256xf32>
    %max3A_27 = arith.maximumf %add3A_25, %max3A_26 : vector<2x256x256xf32>
    %swap3A = arith.constant 0 : index
    %swap3A_28 = arith.constant 0 : index
    %swap3A_29 = arith.constant 0 : index
    %swap3A_30 = vector.load %arg5[%swap3A, %swap3A_28, %swap3A_29] : memref<2x256x256xf32, #tpu.memory_space<vmem>>, vector<2x256x256xf32>
    tpu.vector_store %arg5[%swap3A, %swap3A_28, %swap3A_29], %max3A_27 {strides = array<i32>} : memref<2x256x256xf32, #tpu.memory_space<vmem>>, vector<2x256x256xf32>,
    return
  }
}

</mosaic_0001>

<sc_bundles>
// kernel: sparse-core-data-format-call.cloned.1.call-start
scs
called_computation_lowered:
.L_overlay_start_0:
0x0: {  	s1 =	sld [smem:$0x3FD9]  }
0x1: {  	s2 =	sld [smem:$0x3FFE];
	_ =	sdelay $0x1  }
0x2: {  	s3 =	srdreg.scid  }
0x3: {  	s0 =	sand.u32 $0x1, s3  }
0x4: {  	s17 =	sshll.u32 s0, $0xA;
	s1 =	sadd.s32 s2, s1  }
0x5: {  	s1 =	sadd.s32 s1, s17  }
0x6: {  	[smem:$0x3F97] =	sst s1  }
0x7: {  	_ = 	snop  }
0x8: {  	(tm) =	ssettm $0x1  }
0x9: {  	s18 =	sld [smem:$0x3FFB];
	_ =	sdelay $0x3  }
0xa: {  	_ =	strace s18  }
0xb: {  	s1 =	sld [smem:$0x3FFC];
	_ =	sdelay $0x3  }
0xc: {  	_ =	strace s1  }
0xd: {  	s1 =	sld [smem:$0x3FFD];
	_ =	sdelay $0x3  }
0xe: {  	_ =	strace s1  }
0xf: {  	_ =	strace $0x8FFFFFFF  }
0x10: {  	s19 =	sld [smem:$0x3FDB];
	_ =	sdelay $0x1  }
0x11: {  	s20 =	simm.s32 $_scs_section_size  }
0x12: {  	s4 =	simm.s32 $_size__tile_overlayer_lowered;
	s5 =	simm.s32 $_tile_overlayer_lowered  }
0x13: {  	s23 =	simm.s32 $0x1BFF;
	s22 =	sshll.u32 s5, $0x1;
	s1 =	sadd.s32 s20, s19  }
0x14: {  	s6 =	simm.s32 $0x0;
	s21 =	sshll.u32 s4, $0x1;
	s4 =	sadd.s32 s22, s1  }
0x15: {  	[timem:s6], [sflag:s23] =	dma.local [hbm:s4], s21  }
0x16: {  	_ =	swait.ge [sflag:s23], s21  }
0x17: {  	s2 =	ssub.s32 $0x0, s21;
	[sflag:s23] =	ssyncset.done $0x0  }
0x18: {  	[sflag:s23] =	ssyncadd.s32 s2;
	_ =	sdelay $0x1  }
0x19: {  	s24 =	simm.s32 $0x1B8B  }
0x1a: {  	_ =	swait.ge [sflag:s24], $0x1  }
0x1b: {  	[sflag:s24] =	ssyncset.done $0x0  }
0x1c: {  	s26 =	simm.s32 $0x1B8E;
	s25 =	sld [smem:$0x3FFE];
	[sflag:s24] =	ssyncadd.s32 $0xFFFFFFFF  }
0x1d: {  	s27 =	simm.s32 $execute0_lowered;
	[smem:$0x3FD2] =	sst s26  }
0x1e: {  	s4 =	sshll.u32 s27, $0x1;
	_ =	strace $0x80000046;
	[dreg:$0x1] =	wrdreg $0xFFFFFFFF  }
0x1f: {  	s28 =	simm.s32 $_size_execute0_lowered;
	s1 =	sadd.s32 s1, s4;
	[dreg:$0x0] =	wrdreg $0x0  }
0x20: {  	s4 =	sshll.u32 s28, $0x1;
	[dreg:$0x2] =	wrdreg s1  }
0x21: {  	[dreg:$0x3] =	wrdreg s4  }
0x22: {  	[dreg:$0x4] =	wrdreg $0xC0  }
0x23: {  	_ =	task [dreg:s6], $0x5FFFF  }
0x24: {  	[dreg:$0x1] =	wrdreg $0xFFFFFFFF  }
0x25: {  	[dreg:$0x0] =	wrdreg $0x60  }
0x26: {  	[dreg:$0x2] =	wrdreg s25  }
0x27: {  	[dreg:$0x3] =	wrdreg $0x9  }
0x28: {  	_ =	task.clear_ibuf [dreg:s6], $0x4FFFF;
	_ =	strace $0x90000046  }
0x29: {  	s29 =	simm.s32 $0x9;
	_ =	strace $0x80000048  }
0x2a: {  	_ =	swait.ge [sflag:s29], $0x1  }
0x2b: {  	[sflag:s29] =	ssyncadd.s32 $0xFFFFFFFF  }
0x2c: {  	_ =	strace $0x90000048  }
0x2d: {  	_ =	sfence  }
0x2e: {  	s30 =	sld [smem:$0x0];
	_ =	sdelay $0x2  }
0x2f: {  	s31 =	sshll.u32 s3, $0xD;
	s3 =	sshrl.u32 s3, $0x2  }
0x30: {  	s2 =	sand.u32 $0x4000, s31;
	s1 =	sadd.s32 s3, s30  }
0x31: {  	s0 =	sor.u32 s2, s0;
	s1 =	sshll.u32 s1, $0x11  }
0x32: {  	s0 =	sor.u32 s1, s0  }
0x33: {  	s0 =	sadd.s32 $0x8F2B, s0  }
0x34: {  	[sflag:s0] =	ssyncadd.remote.s32 $0x1  }
0x35: {  	_ =	sfence.sel $0xFFFF  }
0x36: {  	[dreg:$0x0] =	wrdreg $0xFFFFFFFF;
	(pc) =	sbr.abs _section_cstart, $3  }
0x37: {  	[dreg:$0x1] =	wrdreg $0xFFFFFFFF  }
0x38: {  	_ =	task.clear_ibuf [dreg:s6], $0x2FFFF;
	_ =	strace $0x9FFFFFFF  }
0x39: {  	(tm) =	ssettm $0x7FFFFFFF  }
tec
execute0_lowered:
.L_overlay_start_1:
0x0: {  	(tag) =	ssettag $0x1  }
0x1: {  	s0 =	stileid.u32  }
0x2: {  	s1 =	srdreg.scid;
	s5 =	rddreg [dreg:$0x0];
	s31 =	simm.s32 $0x2  }
0x3: {  	s16 =	simm.s32 $0x0;
	s2 =	sshll.u32 s0, $0x6;
	s1 =	sshll.u32 s1, $0xA  }
0x4: {  	s9 =	simm.s32 $0x4000;
	s14 =	simm.s32 $0x0;
	s1 =	sor.u32 s2, s1  }
0x5: {  	s15 =	simm.s32 $0x0;
	s10 =	simm.s32 $0x0;
	s1 =	sand.u32 $0x780, s1  }
0x6: {  	s13 =	simm.s32 $0x0;
	s2 =	sand.u32 $0x1, s0;
	s3 =	ssub.s32 $0x800, s1  }
0x7: {  	s4 =	ssub.s32 $0x2, s2;
	s12 =	smov.u32 s2;
	s6 =	sand.u32 $0x780, s3  }
0x8: {  	s7 =	sshrl.u32 s4, $0x1;
	p0 =	sne.s32 s6, $0x0;
	s6 =	simm.s32 $0x1  }
0x9: {  	s4 =	sand.u32 $0x1, s4;
	s8 =	sshrl.u32 s3, $0xB;
	s6 =	simm.s32 @!p0 $0x0  }
.Ltmp0:
0xa: {  	s4 =	sadd.s32 s4, s7;
	s6 =	sadd.s32 s6, s8;
	(pc) =	sbr.rel .LBB1_1-.Ltmp0, $4  }
0xb: {  	s11 =	smov.u32 s1;
	s3 =	rddreg [dreg:$0x1];
	s7 =	smul.u32 s6, s4  }
0xc: {  	_ =	strace $0x80000047;
	p0 =	por $0x0, $0x0;
	s6 =	simm.s32 $0x1  }
0xd: {  	s4 =	sadd.s32 $0x40200, s5;
	[sflag:s6] =	ssyncpa.u1 $0x0;
	s7 =	sshll.u32 s7, $0x6  }
0xe: {  	s5 =	sadd.s32 $0x440200, s5;
	[sflag:s31] =	ssyncpa.u1 $0x0;
	s8 =	sor.u32 $0x1, s7  }
.LBB1_4:
0xf: {  	v5 =	vld [tilespmem:s19+$0xFFFFFFD0]  }
0x10: {  	[tilespmem:s20+$0x2040 ss:$0x81] =	vst.msk $0xffff, v1;
	v58 =	vld [tilespmem:s19+$0xFFFFFFE0]  }
0x11: {  	[tilespmem:s20+$0x2850 ss:$0x81] =	vst.msk $0xffff, v2;
	v59 =	vld [tilespmem:s19+$0xFFFFFFF0]  }
0x12: {  	s21 =	sshra.s32 s21, $0x2;
	[tilespmem:s20+$0x3060 ss:$0x81] =	vst.msk $0xffff, v3;
	v60 =	vld [tilespmem:s19+$0x0]  }
0x13: {  	[tilespmem:s20+$0x0 ss:$0x81] =	vst.msk $0xffff, v0;
	v61 =	vld [tilespmem:s19+$0x10];
	s18 =	sadd.s32 s21, s18  }
0x14: {  	s26 =	sshll.u32 s16, $0xB;
	v62 =	vld [tilespmem:s19+$0x20];
	[tilespmem:s18+$0x3870 ss:$0x81] =	vst.msk $0xffff, v4  }
0x15: {  	s27 =	sand.u32 $0x78, s14;
	s22 =	sshll.u32 s14, $0x3;
	v63 =	vld [tilespmem:s19+$0xFFFFFFC0];
	s29 =	sshll.u32 s16, $0x7;
	[tilespmem:s18+$0x810 ss:$0x81] =	vst.msk $0xffff, v5  }
0x16: {  	s15 =	sshll.u32 s15, $0x15;
	s20 =	sand.u32 $0xFFC000, s26;
	s28 =	sand.u32 $0xFFFC00, s22;
	[tilespmem:s18+$0x1020 ss:$0x81] =	vst.msk $0xffff, v58  }
0x17: {  	s31 =	sand.u32 $0x7, s14;
	s22 =	sand.u32 $0x400, s22;
	s19 =	sadd.s32 s28, s20;
	[tilespmem:s18+$0x1830 ss:$0x81] =	vst.msk $0xffff, v59  }
0x18: {  	s16 =	sand.u32 $0x380, s29;
	s30 =	sor.u32 s27, s22;
	s19 =	sshrl.u32 s19, $0x3;
	[tilespmem:s18+$0x2040 ss:$0x81] =	vst.msk $0xffff, v60  }
0x19: {  	s15 =	sadd.s32 s5, s15;
	s16 =	sor.u32 s16, s30;
	s19 =	sand.u32 $0x1FFF00, s19;
	[tilespmem:s18+$0x2850 ss:$0x81] =	vst.msk $0xffff, v61  }
0x1a: {  	s14 =	sshll.u32 s31, $0x12;
	s16 =	sshrl.u32 s16, $0x3;
	[tilespmem:s18+$0x3060 ss:$0x81] =	vst.msk $0xffff, v62;
	s15 =	sadd.s32 s19, s15  }
0x1b: {  	s14 =	sor.u32 $0x400, s14;
	[tilespmem:s18+$0x0 ss:$0x81] =	vst.msk $0xffff, v63;
	s15 =	sadd.s32 s16, s15  }
0x1c: {  	[hbm4b:s15+s14] =	stream.strided.scatter [tilespmem:s17], [sflag:$0x2], $0x4000, s9, s14, $0x20;
	[tilespmem:$0x10100] =	vst v63  }
.LBB1_5:
0x1d: {  	s17 =	sadd.s32 $0x80, s10  }
0x1e: {  	s14 =	sadd.s32 $0x800, s11;
	s18 =	smov.u32 s11;
	p2 =	sgt.s32 s17, $0x1FFF  }
0x1f: {  	s18 =	smov.u32 @p2 s14  }
0x20: {  	s20 =	smov.u32 s12;
	s14 =	sadd.s32 $0x2, s12;
	p3 =	sgt.s32 s18, $0x7FF  }
0x21: {  	s20 =	smov.u32 @p3 s14  }
0x22: {  	s17 =	simm.s32 @p2 $0x0;
	p2 =	sgt.s32 s20, $0x1  }
0x23: {  	p1 =	slt.u32 s13, $0x2;
	s20 =	smov.u32 @p2 s2;
	p2 =	sne.s32 s13, s8  }
.Ltmp1:
0x24: {  	s19 =	simm.s32 @!p1 $0x2;
	(pc) =	sbr.rel @!p2 .LBB1_6-.Ltmp1, $4  }
0x25: {  	s16 =	smov.u32 s10;
	s15 =	smov.u32 s12;
	_ =	swait.ge @!p1 [sflag:s19], $0x4000  }
0x26: {  	p0 =	por !p0, !p0;
	[sflag:s19] =	ssyncset.done @!p1 $0x0;
	s10 =	smov.u32 s17  }
0x27: {  	s18 =	smov.u32 @p3 s1;
	s14 =	smov.u32 s11;
	[sflag:s19] =	ssyncadd.s32 @!p1 $0xFFFFC000  }
0x28: {  	s11 =	smov.u32 s18;
	s13 =	sadd.s32 $0x1, s13;
	s12 =	smov.u32 s20  }
.LBB1_1:
0x29: {  	p1 =	sge.u32 s13, s7;
	s31 =	sadd.s32 $0xFFFFFFFF, s13  }
0x2a: {  	s17 =	sxor.u32 @!p1 $0xFFFFFFFF, s13;
	s18 =	sand.u32 @!p1 $0x78, s10;
	s19 =	sshll.u32 @!p1 s11, $0xD  }
0x2b: {  	s20 =	sshll.u32 @!p1 s11, $0x7;
	s21 =	sshll.u32 @!p1 s10, $0x3;
	s17 =	sshll.u32 @!p1 s17, $0xE  }
0x2c: {  	s19 =	sand.u32 @!p1 $0xFF0000, s19;
	s20 =	sand.u32 @!p1 $0x380, s20;
	s17 =	sand.u32 @!p1 $0x4000, s17  }
0x2d: {  	s19 =	sadd.s32 @!p1 s19, s21;
	s21 =	sand.u32 @!p1 $0x1C00, s21;
	s18 =	sor.u32 @!p1 s20, s18  }
0x2e: {  	s20 =	sshll.u32 @!p1 s12, $0x15;
	s18 =	sor.u32 @!p1 s21, s18;
	s19 =	sshrl.u32 @!p1 s19, $0x3  }
0x2f: {  	s20 =	sadd.s32 @!p1 s4, s20;
	s21 =	sand.u32 @!p1 $0x7, s10;
	s19 =	sand.u32 @!p1 $0x1FFC00, s19  }
0x30: {  	s18 =	sshrl.u32 @!p1 s18, $0x3;
	s19 =	sadd.s32 @!p1 s19, s20;
	s20 =	sshll.u32 @!p1 s21, $0x12  }
0x31: {  	s18 =	sadd.s32 @!p1 s18, s19;
	s19 =	sor.u32 @!p1 $0x400, s20;
	s20 =	simm.s32 @!p1 $0x10000  }
0x32: {  	[tilespmem:s17], [sflag:$0x1] =	stream.strided.gather @!p1 [hbm4b:s18+s19], $0x4000, s20, s19, $0x38;
	[tilespmem:$0x10100] =	vst v63  }
0x33: {  	p1 =	sge.u32 s31, s7  }
.Ltmp2:
0x34: {  	_ = 	snop;
	(pc) =	sbr.rel @p1 .LBB1_5-.Ltmp2, $1  }
0x35: {  	_ =	sdelay $0x3  }
0x36: {  	s17 =	simm.s32 $0x1  }
0x37: {  	_ =	swait.ge [sflag:s6], $0x4000;
	s17 =	simm.s32 @!p0 $0x0  }
0x38: {  	[sflag:s6] =	ssyncset.done $0x0;
	s18 =	sshll.u32 s17, $0xE  }
0x39: {  	[sflag:s6] =	ssyncadd.s32 $0xFFFFC000;
	s19 =	sor.u32 $0x40, s18  }
0x3a: {  	s17 =	smul.u32 $0x10200, s17;
	v0 =	vld [tilespmem:s19+$0x30]  }
0x3b: {  	v3 =	vld [tilespmem:s19+$0xFFFFFFD0]  }
0x3c: {  	s17 =	sshrl.u32 s17, $0x2;
	v4 =	vld [tilespmem:s19+$0xFFFFFFE0]  }
0x3d: {  	v5 =	vld [tilespmem:s19+$0xFFFFFFF0];
	s18 =	sor.u32 $0x8000, s17  }
0x3e: {  	s31 =	sand.u32 $0x1, s13;
	v1 =	vld [tilespmem:s19+$0x0];
	s20 =	sadd.s32 $0x0, s18  }
0x3f: {  	v2 =	vld [tilespmem:s19+$0x10];
	s17 =	smul.u32 $0x10200, s31;
	[tilespmem:s20+$0x3870 ss:$0x81] =	vst.msk $0xffff, v0  }
0x40: {  	[tilespmem:s20+$0x810 ss:$0x81] =	vst.msk $0xffff, v3;
	v3 =	vld [tilespmem:s19+$0x20]  }
0x41: {  	s17 =	sshrl.u32 s17, $0x2;
	v0 =	vld [tilespmem:s19+$0xFFFFFFC0];
	[tilespmem:s20+$0x1020 ss:$0x81] =	vst.msk $0xffff, v4;
	s19 =	sadd.s32 $0x80, s19  }
0x42: {  	s21 =	simm.s32 $0x4;
	s22 =	simm.s32 $0x8;
	s17 =	sor.u32 $0x8000, s17;
	[tilespmem:s20+$0x1830 ss:$0x81] =	vst.msk $0xffff, v5;
	v4 =	vld [tilespmem:s19+$0x30]  }
.LBB1_3:
0x43: {  	p1 =	sne.s32 s22, $0x1FC;
	v5 =	vld [tilespmem:s19+$0xFFFFFFD0];
	[tilespmem:s20+$0x2040 ss:$0x81] =	vst.msk $0xffff, v1  }
0x44: {  	v6 =	vld [tilespmem:s19+$0xFFFFFFE0];
	[tilespmem:s20+$0x2850 ss:$0x81] =	vst.msk $0xffff, v2  }
0x45: {  	s23 =	sshra.s32 s21, $0x2;
	s21 =	smov.u32 s22;
	v7 =	vld [tilespmem:s19+$0xFFFFFFF0];
	[tilespmem:s20+$0x3060 ss:$0x81] =	vst.msk $0xffff, v3  }
.Ltmp3:
0x46: {  	v1 =	vld [tilespmem:s19+$0x0];
	[tilespmem:s20+$0x0 ss:$0x81] =	vst.msk $0xffff, v0;
	s20 =	sadd.s32 s23, s18;
	(pc) =	sbr.rel @p1 .LBB1_3-.Ltmp3, $4  }
0x47: {  	v2 =	vld [tilespmem:s19+$0x10];
	[tilespmem:s20+$0x3870 ss:$0x81] =	vst.msk $0xffff, v4  }
0x48: {  	[tilespmem:s20+$0x810 ss:$0x81] =	vst.msk $0xffff, v5;
	v3 =	vld [tilespmem:s19+$0x20]  }
0x49: {  	v0 =	vld [tilespmem:s19+$0xFFFFFFC0];
	[tilespmem:s20+$0x1020 ss:$0x81] =	vst.msk $0xffff, v6;
	s19 =	sadd.s32 $0x80, s19  }
0x4a: {  	s22 =	sadd.s32 $0x4, s22;
	v4 =	vld [tilespmem:s19+$0x30];
	[tilespmem:s20+$0x1830 ss:$0x81] =	vst.msk $0xffff, v7  }
.Ltmp4:
0x4b: {  	_ = 	snop;
	(pc) =	sbr.rel .LBB1_4-.Ltmp4, $1  }
0x4c: {  	_ =	sdelay $0x3  }
.LBB1_6:
0x4d: {  	_ =	sfence.sel $0x180000  }
0x4e: {  	s1 =	simm.s32 $0x1;
	[bflag:$0x0] =	sbarrier.arrive $0xFFFF  }
0x4f: {  	s31 =	simm.s32 $0x2;
	[sflag:s1] =	ssyncpa.u1 $0x1  }
0x50: {  	[sflag:s31] =	ssyncpa.u1 $0x1  }
0x51: {  	p0 =	sne.s32 s0, $0x0;
	_ =	strace $0x90000047  }
0x52: {  	s0 =	sadd.s32 @!p0 $0x100000, s3;
	[bflag:$0x2] =	sbarrier.arrive $0xFFFF  }
0x53: {  	[sflag:s0] =	ssyncadd.tile.s32 @!p0 $0x1;
	_ =	shalt  }
.Lfunc_end1:
_tile_overlayer_lowered:
.L_overlay_start_2:
0x54: {  	(tag) =	ssettag $0x2  }
0x55: {  	s0 =	rddreg [dreg:$0x0];
	s2 =	stileid.u32  }
0x56: {  	s1 =	rddreg [dreg:$0x1];
	p0 =	sne.s32 s2, $0x0  }
0x57: {  	s3 =	rddreg [dreg:$0x2];
	[bflag:$0x3] =	sbarrier.arrive $0xFFFF;
	s2 =	simm.s32 @!p0 $0x1C01  }
0x58: {  	[timem:s3], [sflag:s2] =	dma.local @!p0 [hbm:s0], s1  }
0x59: {  	s0 =	simm.s32 @!p0 $0x1  }
0x5a: {  	_ =	swait.ge @!p0 [sflag:s0], s1  }
0x5b: {  	s1 =	ssub.s32 @!p0 $0x0, s1;
	[sflag:s0] =	ssyncset.done @!p0 $0x0  }
0x5c: {  	[sflag:s0] =	ssyncadd.s32 @!p0 s1  }
0x5d: {  	[bflag:$0x3] =	sbarrier.arrive $0xFFFF  }
0x5e: {  	_ =	shalt  }

</sc_bundles>
